<compile_context>
chip_gen: v7x
topology: tpu7x:2x2x1
jax: 0.10.2.dev20260603
libtpu: 0.0.44.dev20260713+nightly
codegen_flags: <defaults>
</compile_context>

<pallas_src>
import dataclasses
import functools

import jax
import jax.numpy as jnp
import numpy as np
from jax.experimental import pallas as pl
from jax.experimental.pallas import tpu as pltpu
from jax.experimental.pallas import tpu_sc as plsc

PERIOD = 26
ROWS = 32
SC_ROWS = 32


def _aux_constants(S: int):
    out_len = S + 1
    scale = out_len / S
    i = np.arange(S, dtype=np.float32)
    src = np.clip((i + np.float32(0.5)) * np.float32(scale) - np.float32(0.5),
                  np.float32(0.0), np.float32(out_len - 1)).astype(np.float32)
    w = (src - i).astype(np.float32)
    ii = np.arange(S)
    nneg = np.maximum(0, 12 - ii).astype(np.float32)
    npos = np.maximum(0, ii - (S - 13)).astype(np.float32)
    alpha = nneg + (1.0 - w) * (ii <= 12).astype(np.float32)
    beta = npos + w * (ii >= S - 13).astype(np.float32)
    aux = np.zeros((8, S), dtype=np.float32)
    aux[0] = w
    aux[1] = alpha
    aux[2] = beta
    ph = (np.arange(S) % PERIOD)
    H = np.zeros((S, 32), dtype=np.float32)
    H[np.arange(S), ph] = 1.0
    Ht = np.zeros((32, S), dtype=np.float32)
    Ht[ph, np.arange(S)] = 1.0
    return aux, H.astype(jnp.bfloat16), Ht.astype(jnp.bfloat16)


def _body(S, x_ref, aux_ref, h_ref, ht_ref,
          tr_ref, se_ref, re_ref, pa, pb, pc):
    R = ROWS
    KR = x_ref.shape[0]
    W = S + 256

    @pl.when(pl.program_id(0) == 0)
    def _():
        z128 = jnp.zeros((R, 128), jnp.float32)
        pa[:, 0:128] = z128
        pa[:, S + 128:S + 384] = jnp.zeros((R, 256), jnp.float32)
        pb[:, S + 256:S + 384] = z128
        pc[:, S + 256:S + 384] = z128

    X = jnp.reshape(x_ref[...], (R, S))

    pa[:, 128:128 + S] = X

    def rd_a(d):
        return pa[:, d:d + W]

    def rd(buf, d):
        return buf[:, d:d + W]

    def wr(buf, v):
        buf[:, 0:W] = v

    wr(pb, rd_a(0) + rd_a(1))
    wr(pc, rd(pb, 0) + rd_a(2))
    wr(pb, rd(pc, 0) + rd(pc, 3))
    wr(pc, rd(pb, 0) + rd(pb, 6))
    wr(pb, rd(pc, 0) + rd(pc, 12))

    S_z = pb[:, 116:116 + S] + pa[:, 140:140 + S]
    xm13 = pa[:, 115:115 + S]
    xp13 = pa[:, 141:141 + S]

    w = aux_ref[0:1, :]
    al = aux_ref[1:2, :]
    be = aux_ref[2:3, :]
    x0 = X[:, 0:1]
    xL = X[:, S - 1:S]
    trend = (S_z + (1.0 - w) * xm13 + w * xp13 + al * x0 + be * xL) * (
        np.float32(1.0 / PERIOD))
    D = X - trend

    Dhi = D.astype(jnp.bfloat16)
    Dlo = (D - Dhi.astype(jnp.float32)).astype(jnp.bfloat16)
    H = h_ref[...]
    sums = (jnp.dot(Dhi, H, preferred_element_type=jnp.float32)
            + jnp.dot(Dlo, H, preferred_element_type=jnp.float32))
    p = jax.lax.broadcasted_iota(jnp.int32, (R, 32), 1)
    counts = ((S - 1 - p) // PERIOD + 1).astype(jnp.float32)
    means = sums / counts
    mhi = means.astype(jnp.bfloat16)
    mlo = (means - mhi.astype(jnp.float32)).astype(jnp.bfloat16)
    Ht = ht_ref[...]
    seasonal = (jnp.dot(mhi, Ht, preferred_element_type=jnp.float32)
                + jnp.dot(mlo, Ht, preferred_element_type=jnp.float32))

    tr_ref[...] = jnp.reshape(trend, (KR, 128))
    se_ref[...] = jnp.reshape(seasonal, (KR, 128))
    re_ref[...] = jnp.reshape(D - seasonal, (KR, 128))


@functools.lru_cache(maxsize=4)
def _make_tc(B, S, btc=None, interpret=False):
    aux_np, H_np, Ht_np = _aux_constants(S)
    R = ROWS
    aux_c = jnp.asarray(aux_np)
    H_c = jnp.asarray(H_np)
    Ht_c = jnp.asarray(Ht_np)
    N = (B if btc is None else btc) // R
    M = B * S // 128
    out_sd = jax.ShapeDtypeStruct((M, 128), jnp.float32)
    io_spec = pl.BlockSpec((R * S // 128, 128), lambda i: (i, 0))
    call = pl.pallas_call(
        functools.partial(_body, S),
        grid=(N,),
        in_specs=[
            io_spec,
            pl.BlockSpec((8, S), lambda i: (0, 0)),
            pl.BlockSpec((S, 32), lambda i: (0, 0)),
            pl.BlockSpec((32, S), lambda i: (0, 0)),
        ],
        out_specs=[io_spec, io_spec, io_spec],
        out_shape=[out_sd, out_sd, out_sd],
        scratch_shapes=[
            pltpu.VMEM((R, S + 384), jnp.float32),
            pltpu.VMEM((R, S + 384), jnp.float32),
            pltpu.VMEM((R, S + 384), jnp.float32),
        ],
        interpret=interpret,
    )

    def run(x):
        return call(x, aux_c, H_c, Ht_c)

    return run


def _sc_body(S, row0, x_hbm, tr_hbm, se_hbm, re_hbm,
             xp, cbuf, dbuf, trbuf, sebuf, rebuf, acc):
    L = 16
    WPAD = S + 48
    ncore = jax.lax.axis_index("c")
    nsub = jax.lax.axis_index("s")
    wid = nsub * 2 + ncore
    row = row0 + wid
    inv26 = np.float32(1.0 / PERIOD)
    scale = np.float32((S + 1) / S)

    pltpu.sync_copy(x_hbm.at[pl.ds(row * S, S)], xp.at[pl.ds(16, S)])
    v0 = xp[pl.ds(16, L)]
    vL = xp[pl.ds(S, L)]
    x0 = jnp.full((L,), v0[0], jnp.float32)
    xL = jnp.full((L,), vL[15], jnp.float32)
    xp[pl.ds(0, L)] = x0
    xp[pl.ds(S + 16, L)] = xL
    xp[pl.ds(S + 32, L)] = xL

    def cumsum_step(k16, carry):
        k = k16 * L
        v = xp[pl.ds(k, L)]
        cbuf[pl.ds(k, L)] = plsc.cumsum(v) + carry
        return carry + jnp.sum(v)

    jax.lax.fori_loop(0, WPAD // L, cumsum_step, jnp.float32(0.0),
                      unroll=2)

    acc[pl.ds(0, L)] = jnp.zeros((L,), jnp.float32)
    acc[pl.ds(L, L)] = jnp.zeros((L,), jnp.float32)
    iota = jax.lax.iota(jnp.int32, L)

    def main_step(k16, carry):
        k = k16 * L
        ca = cbuf[pl.ds(k + 2, L)]
        cb = cbuf[pl.ds(k + 28, L)]
        ca1 = cbuf[pl.ds(k + 3, L)]
        cb1 = cbuf[pl.ds(k + 29, L)]
        y0 = (cb - ca) * inv26
        y1 = (cb1 - ca1) * inv26
        ivec = iota + k
        i_f = ivec.astype(jnp.float32)
        src = (i_f + np.float32(0.5)) * scale - np.float32(0.5)
        w = src - i_f
        t = y0 + w * (y1 - y0)
        xv = xp[pl.ds(k + 16, L)]
        d = xv - t
        trbuf[pl.ds(k, L)] = t
        dbuf[pl.ds(k, L)] = d
        ph = jax.lax.rem(ivec, PERIOD)
        plsc.addupdate_scatter(acc, [ph], d)
        return carry

    jax.lax.fori_loop(0, S // L, main_step, jnp.int32(0), unroll=2)

    for c in range(2):
        p = iota + c * L
        cnt = ((S - 1 - p) // PERIOD + 1).astype(jnp.float32)
        acc[pl.ds(c * L, L)] = acc[pl.ds(c * L, L)] / cnt

    def bcast_step(k16, carry):
        k = k16 * L
        ph = jax.lax.rem(iota + k, PERIOD)
        se = plsc.load_gather(acc, [ph])
        sebuf[pl.ds(k, L)] = se
        rebuf[pl.ds(k, L)] = dbuf[pl.ds(k, L)] - se
        return carry

    jax.lax.fori_loop(0, S // L, bcast_step, jnp.int32(0), unroll=2)

    pltpu.sync_copy(trbuf, tr_hbm.at[pl.ds(wid * S, S)])
    pltpu.sync_copy(sebuf, se_hbm.at[pl.ds(wid * S, S)])
    pltpu.sync_copy(rebuf, re_hbm.at[pl.ds(wid * S, S)])


@functools.lru_cache(maxsize=2)
def _make_sc(B, S, row0):
    WPAD = S + 48
    mesh = plsc.VectorSubcoreMesh(core_axis_name="c", subcore_axis_name="s")
    out_sd = jax.ShapeDtypeStruct((SC_ROWS * S,), jnp.float32)
    cp = pltpu.CompilerParams()
    if "needs_layout_passes" in pltpu.CompilerParams.__dataclass_fields__:
        cp = dataclasses.replace(cp, needs_layout_passes=False)
    return pl.kernel(
        functools.partial(_sc_body, S, row0),
        out_type=[out_sd, out_sd, out_sd],
        mesh=mesh,
        compiler_params=cp,
        scratch_types=[
            pltpu.VMEM((WPAD,), jnp.float32),
            pltpu.VMEM((WPAD,), jnp.float32),
            pltpu.VMEM((S,), jnp.float32),
            pltpu.VMEM((S,), jnp.float32),
            pltpu.VMEM((S,), jnp.float32),
            pltpu.VMEM((S,), jnp.float32),
            pltpu.VMEM((2 * 16,), jnp.float32),
        ],
    )


def kernel(x):
    B, S, _ = x.shape
    btc = B - SC_ROWS
    x2 = jnp.reshape(x, (B * S // 128, 128))
    trend, seasonal, resid = _make_tc(B, S, btc)(x2)
    x1 = jnp.reshape(x, (B * S,))
    sc_t, sc_s, sc_r = _make_sc(B, S, btc)(x1)

    shp = (B, S, 1)

    def merge(tc2d, sc1d):
        upd = jnp.reshape(sc1d, (SC_ROWS * S // 128, 128))
        out = jax.lax.dynamic_update_slice(tc2d, upd, (btc * S // 128, 0))
        return jnp.reshape(out, shp)

    return (merge(trend, sc_t), merge(seasonal, sc_s), merge(resid, sc_r))

# --- scband reference (transcript-rebuilt; emitter-appended) ---
"""Pipeline reference for scband-stldecomposition-16234976379386 (READ-ONLY COPY).

The authoritative reference and input builder live on the scoring server;
editing this copy changes nothing except your own understanding.
"""

import jax, jax.numpy as jnp
import numpy as np

PERIOD = 26


def setup_inputs(seed: int = 0) -> dict:
    key = jax.random.key(seed)
    x = jax.random.normal(key, (256, 8192, 1), dtype=jnp.float32)
    return {"x": x}


def _moving_average(x, window):
    # x: [B, S, 1]; replicate-pad then uniform conv1d, then linear resize back to S
    B, S, _ = x.shape
    xt = jnp.transpose(x, (0, 2, 1))  # [B, 1, S]
    pad = window // 2
    xp = jnp.pad(xt, ((0, 0), (0, 0), (pad, pad)), mode='edge')
    kernel = jnp.ones((1, 1, window), dtype=x.dtype) / window
    y = jax.lax.conv_general_dilated(
        xp, kernel, window_strides=(1,), padding='VALID',
        dimension_numbers=('NCH', 'OIH', 'NCH'))  # [B, 1, S+1] for even window
    out_len = y.shape[2]
    if out_len != S:
        # F.interpolate(mode='linear', align_corners=False) semantics
        scale = out_len / S
        src = jnp.clip((jnp.arange(S, dtype=jnp.float32) + 0.5) * scale - 0.5, 0.0, out_len - 1)
        i0 = jnp.floor(src).astype(jnp.int32)
        i1 = jnp.minimum(i0 + 1, out_len - 1)
        w = (src - i0.astype(jnp.float32)).astype(x.dtype)
        y = y[:, :, i0] * (1.0 - w) + y[:, :, i1] * w
    return jnp.transpose(y, (0, 2, 1))  # [B, S, 1]


def _extract_seasonal(x, period):
    # per-phase mean over seq dim: segment reduce with segment_ids = arange(S) % period
    B, S, _ = x.shape
    phase = jnp.arange(S) % period  # [S]
    data = jnp.transpose(x[:, :, 0], (1, 0))  # [S, B]
    sums = jax.ops.segment_sum(data, phase, num_segments=period)  # [period, B]
    counts = jax.ops.segment_sum(jnp.ones((S,), dtype=x.dtype), phase, num_segments=period)  # [period]
    means = sums / counts[:, None]  # [period, B]
    seasonal = jnp.transpose(means[phase], (1, 0))[:, :, None]  # [B, S, 1]
    return seasonal


def reference(x):
    trend = _moving_average(x, PERIOD)
    detrended = x - trend
    seasonal = _extract_seasonal(detrended, PERIOD)
    residual = detrended - seasonal
    return (trend, seasonal, residual)

if __name__ == "__main__":
    import jax
    _d = setup_inputs()
    print(jax.jit(kernel)(*tuple(_d.values())))

</pallas_src>

<mosaic_0001>
#map = affine_map<(d0, d1) -> (0)>
module attributes {stable_mosaic.version = 14 : i64} {
  func.func @_sc_body(%arg0: i32, %arg1: i32, %arg2: memref<2097152xf32, #tpu.memory_space<hbm>>, %arg3: memref<262144xf32, #tpu.memory_space<hbm>>, %arg4: memref<262144xf32, #tpu.memory_space<hbm>>, %arg5: memref<262144xf32, #tpu.memory_space<hbm>>, %arg6: memref<8240xf32, #tpu.memory_space<vmem>>, %arg7: memref<8240xf32, #tpu.memory_space<vmem>>, %arg8: memref<8192xf32, #tpu.memory_space<vmem>>, %arg9: memref<8192xf32, #tpu.memory_space<vmem>>, %arg10: memref<8192xf32, #tpu.memory_space<vmem>>, %arg11: memref<8192xf32, #tpu.memory_space<vmem>>, %arg12: memref<32xf32, #tpu.memory_space<vmem>>) attributes {dimension_semantics = [#tpu.dimension_semantics<core_parallel>, #tpu.dimension_semantics<subcore_parallel>], iteration_bounds = array<i64: 2, 16>, scalar_prefetch = 0 : i64, scratch_operands = 7 : i64, tpu.core_type = #tpu.core_type<sc_vector_subcore>, window_params = [{transform_indices = #map}, {transform_indices = #map}, {transform_indices = #map}, {transform_indices = #map}]} {
    %mul3A = arith.constant 2 : i32
    %mul3A_0 = arith.muli %arg1, %mul3A : i32
    %add3A = arith.addi %mul3A_0, %arg0 : i32
    %add3A_1 = arith.constant 224 : i32
    %add3A_2 = arith.addi %add3A_1, %add3A : i32
    %mul3A_3 = arith.constant 8192 : i32
    %mul3A_4 = arith.muli %add3A_2, %mul3A_3 : i32
    "tpu.region"() ({
      %run_scoped3A = tpu.sem_alloc : memref<!tpu.dma_semaphore, #tpu.memory_space<semaphore_mem>>
      %dma_start3A = arith.constant 16 : i32
      %dma_start3A_147 = tpu.memref_slice %arg6[%dma_start3A] : memref<8240xf32, #tpu.memory_space<vmem>> -> memref<8192xf32, #tpu.memory_space<vmem>>
      %dma_start3A_148 = tpu.memref_slice %arg2[%mul3A_4] : memref<2097152xf32, #tpu.memory_space<hbm>> -> memref<8192xf32, #tpu.memory_space<hbm>>
      %dma_start3A_149 = arith.constant 16 : i32
      %dma_start3A_150 = tpu.memref_slice %arg6[%dma_start3A_149] : memref<8240xf32, #tpu.memory_space<vmem>> -> memref<8192xf32, #tpu.memory_space<vmem>>
      %dma_start3A_151 = tpu.memref_slice %arg2[%mul3A_4] : memref<2097152xf32, #tpu.memory_space<hbm>> -> memref<8192xf32, #tpu.memory_space<hbm>>
      tpu.enqueue_dma source(%dma_start3A_151 : memref<8192xf32, #tpu.memory_space<hbm>>) target(%dma_start3A_150 : memref<8192xf32, #tpu.memory_space<vmem>>) target_semaphore(%run_scoped3A : memref<!tpu.dma_semaphore, #tpu.memory_space<semaphore_mem>>)
      %dma_wait3A = arith.constant 16 : i32
      %dma_wait3A_152 = tpu.memref_slice %arg6[%dma_wait3A] : memref<8240xf32, #tpu.memory_space<vmem>> -> memref<8192xf32, #tpu.memory_space<vmem>>
      %dma_wait3A_153 = tpu.memref_slice %arg2[%mul3A_4] : memref<2097152xf32, #tpu.memory_space<hbm>> -> memref<8192xf32, #tpu.memory_space<hbm>>
      %dma_wait3A_154 = arith.constant 16 : i32
      %dma_wait3A_155 = tpu.memref_slice %arg6[%dma_wait3A_154] : memref<8240xf32, #tpu.memory_space<vmem>> -> memref<8192xf32, #tpu.memory_space<vmem>>
      %dma_wait3A_156 = tpu.memref_slice %arg2[%mul3A_4] : memref<2097152xf32, #tpu.memory_space<hbm>> -> memref<8192xf32, #tpu.memory_space<hbm>>
      tpu.wait_dma2 semaphore(%run_scoped3A : memref<!tpu.dma_semaphore, #tpu.memory_space<semaphore_mem>>) src(%dma_wait3A_156 : memref<8192xf32, #tpu.memory_space<hbm>>) dst(%dma_wait3A_155 : memref<8192xf32, #tpu.memory_space<vmem>>)
      tpu.yield
    }) : () -> ()
    %get3A = arith.constant 16 : index
    %get3A_5 = tpu.vector_load %arg6[%get3A] {strides = array<i32>} : memref<8240xf32, #tpu.memory_space<vmem>>, vector<16xf32>,
    %get3A_6 = arith.constant 8192 : index
    %get3A_7 = tpu.vector_load %arg6[%get3A_6] {strides = array<i32>} : memref<8240xf32, #tpu.memory_space<vmem>>, vector<16xf32>,
    %slice3A = vector.extract_strided_slice %get3A_5 {offsets = [0], sizes = [1], strides = [1]} : vector<16xf32> to vector<1xf32>
    %squeeze3A = vector.extract %slice3A[0] : f32 from vector<1xf32>
    %broadcast_in_dim3A = vector.broadcast %squeeze3A : f32 to vector<16xf32>
    %slice3A_8 = vector.extract_strided_slice %get3A_7 {offsets = [15], sizes = [1], strides = [1]} : vector<16xf32> to vector<1xf32>
    %squeeze3A_9 = vector.extract %slice3A_8[0] : f32 from vector<1xf32>
    %broadcast_in_dim3A_10 = vector.broadcast %squeeze3A_9 : f32 to vector<16xf32>
    %swap3A = arith.constant 0 : index
    %swap3A_11 = tpu.vector_load %arg6[%swap3A] {strides = array<i32>} : memref<8240xf32, #tpu.memory_space<vmem>>, vector<16xf32>,
    tpu.vector_store %arg6[%swap3A], %broadcast_in_dim3A {strides = array<i32>} : memref<8240xf32, #tpu.memory_space<vmem>>, vector<16xf32>,
    %swap3A_12 = arith.constant 8208 : index
    %swap3A_13 = tpu.vector_load %arg6[%swap3A_12] {strides = array<i32>} : memref<8240xf32, #tpu.memory_space<vmem>>, vector<16xf32>,
    tpu.vector_store %arg6[%swap3A_12], %broadcast_in_dim3A_10 {strides = array<i32>} : memref<8240xf32, #tpu.memory_space<vmem>>, vector<16xf32>,
    %swap3A_14 = arith.constant 8224 : index
    %swap3A_15 = tpu.vector_load %arg6[%swap3A_14] {strides = array<i32>} : memref<8240xf32, #tpu.memory_space<vmem>>, vector<16xf32>,
    tpu.vector_store %arg6[%swap3A_14], %broadcast_in_dim3A_10 {strides = array<i32>} : memref<8240xf32, #tpu.memory_space<vmem>>, vector<16xf32>,
    %scan3A = arith.constant 0.000000e+00 : f32
    %scan3A_16 = arith.constant 0 : i32
    %scan3A_17 = arith.constant 514 : i32
    %scan3A_18 = arith.addi %scan3A_16, %scan3A_17 : i32
    %scan3A_19 = arith.constant 2 : i32
    %scan3A_20 = scf.for %scan3A_147 = %scan3A_16 to %scan3A_18 step %scan3A_19 iter_args(%scan3A_148 = %scan3A) -> (f32)  : i32 {
      %mul3A_149 = arith.constant 16 : i32
      %mul3A_150 = arith.muli %scan3A_147, %mul3A_149 : i32
      %get3A_151 = arith.index_cast %mul3A_150 : i32 to index
      %get3A_152 = tpu.vector_load %arg6[%get3A_151] {strides = array<i32>} : memref<8240xf32, #tpu.memory_space<vmem>>, vector<16xf32>,
      %broadcast_in_dim3A_153 = arith.constant true
      %broadcast_in_dim3A_154 = vector.broadcast %broadcast_in_dim3A_153 : i1 to vector<16xi1>
      %masked_cumsum3A_155 = tpu.scan <sum>, %get3A_152 masked %broadcast_in_dim3A_154 : vector<16xf32>, vector<16xi1> -> vector<16xf32>
      %add3A_156 = vector.broadcast %scan3A_148 : f32 to vector<16xf32>
      %add3A_157 = arith.addf %masked_cumsum3A_155, %add3A_156 : vector<16xf32>
      %swap3A_158 = arith.index_cast %mul3A_150 : i32 to index
      %swap3A_159 = tpu.vector_load %arg7[%swap3A_158] {strides = array<i32>} : memref<8240xf32, #tpu.memory_space<vmem>>, vector<16xf32>,
      tpu.vector_store %arg7[%swap3A_158], %add3A_157 {strides = array<i32>} : memref<8240xf32, #tpu.memory_space<vmem>>, vector<16xf32>,
      %reduce_sum3A_160 = arith.constant true
      %reduce_sum3A_161 = vector.broadcast %reduce_sum3A_160 : i1 to vector<16xi1>
      %reduce_sum3A_162 = tpu.scan <sum>, %get3A_152 masked %reduce_sum3A_161 : vector<16xf32>, vector<16xi1> -> vector<16xf32>
      %reduce_sum3A_163 = vector.extract %reduce_sum3A_162[15] : f32 from vector<16xf32>
      %add3A_164 = arith.addf %scan3A_148, %reduce_sum3A_163 : f32
      %scan3A_165 = arith.constant 1 : i32
      %scan3A_166 = arith.addi %scan3A_147, %scan3A_165 : i32
      %mul3A_167 = arith.constant 16 : i32
      %mul3A_168 = arith.muli %scan3A_166, %mul3A_167 : i32
      %get3A_169 = arith.index_cast %mul3A_168 : i32 to index
      %get3A_170 = tpu.vector_load %arg6[%get3A_169] {strides = array<i32>} : memref<8240xf32, #tpu.memory_space<vmem>>, vector<16xf32>,
      %broadcast_in_dim3A_171 = arith.constant true
      %broadcast_in_dim3A_172 = vector.broadcast %broadcast_in_dim3A_171 : i1 to vector<16xi1>
      %masked_cumsum3A_173 = tpu.scan <sum>, %get3A_170 masked %broadcast_in_dim3A_172 : vector<16xf32>, vector<16xi1> -> vector<16xf32>
      %add3A_174 = vector.broadcast %add3A_164 : f32 to vector<16xf32>
      %add3A_175 = arith.addf %masked_cumsum3A_173, %add3A_174 : vector<16xf32>
      %swap3A_176 = arith.index_cast %mul3A_168 : i32 to index
      %swap3A_177 = tpu.vector_load %arg7[%swap3A_176] {strides = array<i32>} : memref<8240xf32, #tpu.memory_space<vmem>>, vector<16xf32>,
      tpu.vector_store %arg7[%swap3A_176], %add3A_175 {strides = array<i32>} : memref<8240xf32, #tpu.memory_space<vmem>>, vector<16xf32>,
      %reduce_sum3A_178 = arith.constant true
      %reduce_sum3A_179 = vector.broadcast %reduce_sum3A_178 : i1 to vector<16xi1>
      %reduce_sum3A_180 = tpu.scan <sum>, %get3A_170 masked %reduce_sum3A_179 : vector<16xf32>, vector<16xi1> -> vector<16xf32>
      %reduce_sum3A_181 = vector.extract %reduce_sum3A_180[15] : f32 from vector<16xf32>
      %add3A_182 = arith.addf %add3A_164, %reduce_sum3A_181 : f32
      scf.yield %add3A_182 : f32
    }
    %scan3A_21 = arith.constant 514 : i32
    %scan3A_22 = arith.addi %scan3A_16, %scan3A_21 : i32
    %mul3A_23 = arith.constant 16 : i32
    %mul3A_24 = arith.muli %scan3A_22, %mul3A_23 : i32
    %get3A_25 = arith.index_cast %mul3A_24 : i32 to index
    %get3A_26 = tpu.vector_load %arg6[%get3A_25] {strides = array<i32>} : memref<8240xf32, #tpu.memory_space<vmem>>, vector<16xf32>,
    %broadcast_in_dim3A_27 = arith.constant true
    %broadcast_in_dim3A_28 = vector.broadcast %broadcast_in_dim3A_27 : i1 to vector<16xi1>
    %masked_cumsum3A = tpu.scan <sum>, %get3A_26 masked %broadcast_in_dim3A_28 : vector<16xf32>, vector<16xi1> -> vector<16xf32>
    %add3A_29 = vector.broadcast %scan3A_20 : f32 to vector<16xf32>
    %add3A_30 = arith.addf %masked_cumsum3A, %add3A_29 : vector<16xf32>
    %swap3A_31 = arith.index_cast %mul3A_24 : i32 to index
    %swap3A_32 = tpu.vector_load %arg7[%swap3A_31] {strides = array<i32>} : memref<8240xf32, #tpu.memory_space<vmem>>, vector<16xf32>,
    tpu.vector_store %arg7[%swap3A_31], %add3A_30 {strides = array<i32>} : memref<8240xf32, #tpu.memory_space<vmem>>, vector<16xf32>,
    %reduce_sum3A = arith.constant true
    %reduce_sum3A_33 = vector.broadcast %reduce_sum3A : i1 to vector<16xi1>
    %reduce_sum3A_34 = tpu.scan <sum>, %get3A_26 masked %reduce_sum3A_33 : vector<16xf32>, vector<16xi1> -> vector<16xf32>
    %reduce_sum3A_35 = vector.extract %reduce_sum3A_34[15] : f32 from vector<16xf32>
    %add3A_36 = arith.addf %scan3A_20, %reduce_sum3A_35 : f32
    %scan3A_37 = arith.constant 515 : i32
    %broadcast_in_dim3A_38 = arith.constant 0.000000e+00 : f32
    %broadcast_in_dim3A_39 = vector.broadcast %broadcast_in_dim3A_38 : f32 to vector<16xf32>
    %swap3A_40 = arith.constant 0 : index
    %swap3A_41 = tpu.vector_load %arg12[%swap3A_40] {strides = array<i32>} : memref<32xf32, #tpu.memory_space<vmem>>, vector<16xf32>,
    tpu.vector_store %arg12[%swap3A_40], %broadcast_in_dim3A_39 {strides = array<i32>} : memref<32xf32, #tpu.memory_space<vmem>>, vector<16xf32>,
    %broadcast_in_dim3A_42 = arith.constant 0.000000e+00 : f32
    %broadcast_in_dim3A_43 = vector.broadcast %broadcast_in_dim3A_42 : f32 to vector<16xf32>
    %swap3A_44 = arith.constant 16 : index
    %swap3A_45 = tpu.vector_load %arg12[%swap3A_44] {strides = array<i32>} : memref<32xf32, #tpu.memory_space<vmem>>, vector<16xf32>,
    tpu.vector_store %arg12[%swap3A_44], %broadcast_in_dim3A_43 {strides = array<i32>} : memref<32xf32, #tpu.memory_space<vmem>>, vector<16xf32>,
    %iota3A = tpu.iota {dimensions = array<i32: 0>} : vector<16xi32>
    %scan3A_46 = arith.constant 0 : i32
    %scan3A_47 = arith.constant 0 : i32
    %scan3A_48 = arith.constant 512 : i32
    %scan3A_49 = arith.addi %scan3A_47, %scan3A_48 : i32
    %scan3A_50 = arith.constant 2 : i32
    scf.for %scan3A_147 = %scan3A_47 to %scan3A_49 step %scan3A_50  : i32 {
      %mul3A_148 = arith.constant 16 : i32
      %mul3A_149 = arith.muli %scan3A_147, %mul3A_148 : i32
      %add3A_150 = arith.constant 2 : i32
      %add3A_151 = arith.addi %mul3A_149, %add3A_150 : i32
      %get3A_152 = arith.index_cast %add3A_151 : i32 to index
      %get3A_153 = tpu.vector_load %arg7[%get3A_152] {strides = array<i32>} : memref<8240xf32, #tpu.memory_space<vmem>>, vector<16xf32>,
      %add3A_154 = arith.constant 28 : i32
      %add3A_155 = arith.addi %mul3A_149, %add3A_154 : i32
      %get3A_156 = arith.index_cast %add3A_155 : i32 to index
      %get3A_157 = tpu.vector_load %arg7[%get3A_156] {strides = array<i32>} : memref<8240xf32, #tpu.memory_space<vmem>>, vector<16xf32>,
      %add3A_158 = arith.constant 3 : i32
      %add3A_159 = arith.addi %mul3A_149, %add3A_158 : i32
      %get3A_160 = arith.index_cast %add3A_159 : i32 to index
      %get3A_161 = tpu.vector_load %arg7[%get3A_160] {strides = array<i32>} : memref<8240xf32, #tpu.memory_space<vmem>>, vector<16xf32>,
      %add3A_162 = arith.constant 29 : i32
      %add3A_163 = arith.addi %mul3A_149, %add3A_162 : i32
      %get3A_164 = arith.index_cast %add3A_163 : i32 to index
      %get3A_165 = tpu.vector_load %arg7[%get3A_164] {strides = array<i32>} : memref<8240xf32, #tpu.memory_space<vmem>>, vector<16xf32>,
      %sub3A_166 = arith.subf %get3A_157, %get3A_153 : vector<16xf32>
      %mul3A_167 = arith.constant 0.0384615399 : f32
      %mul3A_168 = vector.broadcast %mul3A_167 : f32 to vector<16xf32>
      %mul3A_169 = arith.mulf %sub3A_166, %mul3A_168 : vector<16xf32>
      %sub3A_170 = arith.subf %get3A_165, %get3A_161 : vector<16xf32>
      %mul3A_171 = arith.constant 0.0384615399 : f32
      %mul3A_172 = vector.broadcast %mul3A_171 : f32 to vector<16xf32>
      %mul3A_173 = arith.mulf %sub3A_170, %mul3A_172 : vector<16xf32>
      %add3A_174 = vector.broadcast %mul3A_149 : i32 to vector<16xi32>
      %add3A_175 = arith.addi %iota3A, %add3A_174 : vector<16xi32>
      %convert_element_type3A_176 = arith.sitofp %add3A_175 : vector<16xi32> to vector<16xf32>
      %add3A_177 = arith.constant 5.000000e-01 : f32
      %add3A_178 = vector.broadcast %add3A_177 : f32 to vector<16xf32>
      %add3A_179 = arith.addf %convert_element_type3A_176, %add3A_178 : vector<16xf32>
      %mul3A_180 = arith.constant 1.00012207 : f32
      %mul3A_181 = vector.broadcast %mul3A_180 : f32 to vector<16xf32>
      %mul3A_182 = arith.mulf %add3A_179, %mul3A_181 : vector<16xf32>
      %sub3A_183 = arith.constant 5.000000e-01 : f32
      %sub3A_184 = vector.broadcast %sub3A_183 : f32 to vector<16xf32>
      %sub3A_185 = arith.subf %mul3A_182, %sub3A_184 : vector<16xf32>
      %sub3A_186 = arith.subf %sub3A_185, %convert_element_type3A_176 : vector<16xf32>
      %sub3A_187 = arith.subf %mul3A_173, %mul3A_169 : vector<16xf32>
      %mul3A_188 = arith.mulf %sub3A_186, %sub3A_187 : vector<16xf32>
      %add3A_189 = arith.addf %mul3A_169, %mul3A_188 : vector<16xf32>
      %add3A_190 = arith.constant 16 : i32
      %add3A_191 = arith.addi %mul3A_149, %add3A_190 : i32
      %get3A_192 = arith.index_cast %add3A_191 : i32 to index
      %get3A_193 = tpu.vector_load %arg6[%get3A_192] {strides = array<i32>} : memref<8240xf32, #tpu.memory_space<vmem>>, vector<16xf32>,
      %sub3A_194 = arith.subf %get3A_193, %add3A_189 : vector<16xf32>
      %swap3A_195 = arith.index_cast %mul3A_149 : i32 to index
      %swap3A_196 = tpu.vector_load %arg9[%swap3A_195] {strides = array<i32>} : memref<8192xf32, #tpu.memory_space<vmem>>, vector<16xf32>,
      tpu.vector_store %arg9[%swap3A_195], %add3A_189 {strides = array<i32>} : memref<8192xf32, #tpu.memory_space<vmem>>, vector<16xf32>,
      %swap3A_197 = arith.index_cast %mul3A_149 : i32 to index
      %swap3A_198 = tpu.vector_load %arg8[%swap3A_197] {strides = array<i32>} : memref<8192xf32, #tpu.memory_space<vmem>>, vector<16xf32>,
      tpu.vector_store %arg8[%swap3A_197], %sub3A_194 {strides = array<i32>} : memref<8192xf32, #tpu.memory_space<vmem>>, vector<16xf32>,
      %rem3A_199 = arith.constant 26 : i32
      %rem3A_200 = vector.broadcast %rem3A_199 : i32 to vector<16xi32>
      %rem3A_201 = arith.remsi %add3A_175, %rem3A_200 : vector<16xi32>
      tpu.vector_store_idx %arg12[%rem3A_201], %sub3A_194 {add = true} : memref<32xf32, #tpu.memory_space<vmem>>[vector<16xi32>], vector<16xf32>,
      %scan3A_202 = arith.constant 1 : i32
      %scan3A_203 = arith.addi %scan3A_147, %scan3A_202 : i32
      %mul3A_204 = arith.constant 16 : i32
      %mul3A_205 = arith.muli %scan3A_203, %mul3A_204 : i32
      %add3A_206 = arith.constant 2 : i32
      %add3A_207 = arith.addi %mul3A_205, %add3A_206 : i32
      %get3A_208 = arith.index_cast %add3A_207 : i32 to index
      %get3A_209 = tpu.vector_load %arg7[%get3A_208] {strides = array<i32>} : memref<8240xf32, #tpu.memory_space<vmem>>, vector<16xf32>,
      %add3A_210 = arith.constant 28 : i32
      %add3A_211 = arith.addi %mul3A_205, %add3A_210 : i32
      %get3A_212 = arith.index_cast %add3A_211 : i32 to index
      %get3A_213 = tpu.vector_load %arg7[%get3A_212] {strides = array<i32>} : memref<8240xf32, #tpu.memory_space<vmem>>, vector<16xf32>,
      %add3A_214 = arith.constant 3 : i32
      %add3A_215 = arith.addi %mul3A_205, %add3A_214 : i32
      %get3A_216 = arith.index_cast %add3A_215 : i32 to index
      %get3A_217 = tpu.vector_load %arg7[%get3A_216] {strides = array<i32>} : memref<8240xf32, #tpu.memory_space<vmem>>, vector<16xf32>,
      %add3A_218 = arith.constant 29 : i32
      %add3A_219 = arith.addi %mul3A_205, %add3A_218 : i32
      %get3A_220 = arith.index_cast %add3A_219 : i32 to index
      %get3A_221 = tpu.vector_load %arg7[%get3A_220] {strides = array<i32>} : memref<8240xf32, #tpu.memory_space<vmem>>, vector<16xf32>,
      %sub3A_222 = arith.subf %get3A_213, %get3A_209 : vector<16xf32>
      %mul3A_223 = arith.constant 0.0384615399 : f32
      %mul3A_224 = vector.broadcast %mul3A_223 : f32 to vector<16xf32>
      %mul3A_225 = arith.mulf %sub3A_222, %mul3A_224 : vector<16xf32>
      %sub3A_226 = arith.subf %get3A_221, %get3A_217 : vector<16xf32>
      %mul3A_227 = arith.constant 0.0384615399 : f32
      %mul3A_228 = vector.broadcast %mul3A_227 : f32 to vector<16xf32>
      %mul3A_229 = arith.mulf %sub3A_226, %mul3A_228 : vector<16xf32>
      %add3A_230 = vector.broadcast %mul3A_205 : i32 to vector<16xi32>
      %add3A_231 = arith.addi %iota3A, %add3A_230 : vector<16xi32>
      %convert_element_type3A_232 = arith.sitofp %add3A_231 : vector<16xi32> to vector<16xf32>
      %add3A_233 = arith.constant 5.000000e-01 : f32
      %add3A_234 = vector.broadcast %add3A_233 : f32 to vector<16xf32>
      %add3A_235 = arith.addf %convert_element_type3A_232, %add3A_234 : vector<16xf32>
      %mul3A_236 = arith.constant 1.00012207 : f32
      %mul3A_237 = vector.broadcast %mul3A_236 : f32 to vector<16xf32>
      %mul3A_238 = arith.mulf %add3A_235, %mul3A_237 : vector<16xf32>
      %sub3A_239 = arith.constant 5.000000e-01 : f32
      %sub3A_240 = vector.broadcast %sub3A_239 : f32 to vector<16xf32>
      %sub3A_241 = arith.subf %mul3A_238, %sub3A_240 : vector<16xf32>
      %sub3A_242 = arith.subf %sub3A_241, %convert_element_type3A_232 : vector<16xf32>
      %sub3A_243 = arith.subf %mul3A_229, %mul3A_225 : vector<16xf32>
      %mul3A_244 = arith.mulf %sub3A_242, %sub3A_243 : vector<16xf32>
      %add3A_245 = arith.addf %mul3A_225, %mul3A_244 : vector<16xf32>
      %add3A_246 = arith.constant 16 : i32
      %add3A_247 = arith.addi %mul3A_205, %add3A_246 : i32
      %get3A_248 = arith.index_cast %add3A_247 : i32 to index
      %get3A_249 = tpu.vector_load %arg6[%get3A_248] {strides = array<i32>} : memref<8240xf32, #tpu.memory_space<vmem>>, vector<16xf32>,
      %sub3A_250 = arith.subf %get3A_249, %add3A_245 : vector<16xf32>
      %swap3A_251 = arith.index_cast %mul3A_205 : i32 to index
      %swap3A_252 = tpu.vector_load %arg9[%swap3A_251] {strides = array<i32>} : memref<8192xf32, #tpu.memory_space<vmem>>, vector<16xf32>,
      tpu.vector_store %arg9[%swap3A_251], %add3A_245 {strides = array<i32>} : memref<8192xf32, #tpu.memory_space<vmem>>, vector<16xf32>,
      %swap3A_253 = arith.index_cast %mul3A_205 : i32 to index
      %swap3A_254 = tpu.vector_load %arg8[%swap3A_253] {strides = array<i32>} : memref<8192xf32, #tpu.memory_space<vmem>>, vector<16xf32>,
      tpu.vector_store %arg8[%swap3A_253], %sub3A_250 {strides = array<i32>} : memref<8192xf32, #tpu.memory_space<vmem>>, vector<16xf32>,
      %rem3A_255 = arith.constant 26 : i32
      %rem3A_256 = vector.broadcast %rem3A_255 : i32 to vector<16xi32>
      %rem3A_257 = arith.remsi %add3A_231, %rem3A_256 : vector<16xi32>
      tpu.vector_store_idx %arg12[%rem3A_257], %sub3A_250 {add = true} : memref<32xf32, #tpu.memory_space<vmem>>[vector<16xi32>], vector<16xf32>,
    }
    %scan3A_51 = arith.constant 512 : i32
    %add3A_52 = arith.constant 0 : i32
    %add3A_53 = vector.broadcast %add3A_52 : i32 to vector<16xi32>
    %add3A_54 = arith.addi %iota3A, %add3A_53 : vector<16xi32>
    %sub3A = arith.constant 8191 : i32
    %sub3A_55 = vector.broadcast %sub3A : i32 to vector<16xi32>
    %sub3A_56 = arith.subi %sub3A_55, %add3A_54 : vector<16xi32>
    %jit3A = arith.constant 26 : i32
    %div3A = vector.broadcast %jit3A : i32 to vector<16xi32>
    %div3A_57 = arith.divsi %sub3A_56, %div3A : vector<16xi32>
    %sign3A = arith.constant 0 : i32
    %sign3A_58 = vector.broadcast %sign3A : i32 to vector<16xi32>
    %sign3A_59 = arith.cmpi sgt, %sub3A_56, %sign3A_58 : vector<16xi32>
    %sign3A_60 = arith.extui %sign3A_59 : vector<16xi1> to vector<16xi32>
    %sign3A_61 = arith.constant 0 : i32
    %sign3A_62 = vector.broadcast %sign3A_61 : i32 to vector<16xi32>
    %sign3A_63 = arith.cmpi slt, %sub3A_56, %sign3A_62 : vector<16xi32>
    %sign3A_64 = arith.extui %sign3A_63 : vector<16xi1> to vector<16xi32>
    %sign3A_65 = arith.subi %sign3A_60, %sign3A_64 : vector<16xi32>
    %sign3A_66 = arith.constant 0 : i32
    %sign3A_67 = arith.cmpi sgt, %jit3A, %sign3A_66 : i32
    %sign3A_68 = arith.extui %sign3A_67 : i1 to i32
    %sign3A_69 = arith.constant 0 : i32
    %sign3A_70 = arith.cmpi slt, %jit3A, %sign3A_69 : i32
    %sign3A_71 = arith.extui %sign3A_70 : i1 to i32
    %sign3A_72 = arith.subi %sign3A_68, %sign3A_71 : i32
    %ne3A = vector.broadcast %sign3A_72 : i32 to vector<16xi32>
    %ne3A_73 = arith.cmpi ne, %sign3A_65, %ne3A : vector<16xi32>
    %rem3A = vector.broadcast %jit3A : i32 to vector<16xi32>
    %rem3A_74 = arith.remsi %sub3A_56, %rem3A : vector<16xi32>
    %ne3A_75 = arith.constant 0 : i32
    %ne3A_76 = vector.broadcast %ne3A_75 : i32 to vector<16xi32>
    %ne3A_77 = arith.cmpi ne, %rem3A_74, %ne3A_76 : vector<16xi32>
    %and3A = arith.andi %ne3A_73, %ne3A_77 : vector<16xi1>
    %sub3A_78 = arith.constant 1 : i32
    %sub3A_79 = vector.broadcast %sub3A_78 : i32 to vector<16xi32>
    %sub3A_80 = arith.subi %div3A_57, %sub3A_79 : vector<16xi32>
    %select_n3A = arith.select %and3A, %sub3A_80, %div3A_57 : vector<16xi1>, vector<16xi32>
    %add3A_81 = arith.constant 1 : i32
    %add3A_82 = vector.broadcast %add3A_81 : i32 to vector<16xi32>
    %add3A_83 = arith.addi %select_n3A, %add3A_82 : vector<16xi32>
    %convert_element_type3A = arith.sitofp %add3A_83 : vector<16xi32> to vector<16xf32>
    %get3A_84 = arith.constant 0 : index
    %get3A_85 = tpu.vector_load %arg12[%get3A_84] {strides = array<i32>} : memref<32xf32, #tpu.memory_space<vmem>>, vector<16xf32>,
    %div3A_86 = arith.divf %get3A_85, %convert_element_type3A : vector<16xf32>
    %swap3A_87 = arith.constant 0 : index
    %swap3A_88 = tpu.vector_load %arg12[%swap3A_87] {strides = array<i32>} : memref<32xf32, #tpu.memory_space<vmem>>, vector<16xf32>,
    tpu.vector_store %arg12[%swap3A_87], %div3A_86 {strides = array<i32>} : memref<32xf32, #tpu.memory_space<vmem>>, vector<16xf32>,
    %add3A_89 = arith.constant 16 : i32
    %add3A_90 = vector.broadcast %add3A_89 : i32 to vector<16xi32>
    %add3A_91 = arith.addi %iota3A, %add3A_90 : vector<16xi32>
    %sub3A_92 = arith.constant 8191 : i32
    %sub3A_93 = vector.broadcast %sub3A_92 : i32 to vector<16xi32>
    %sub3A_94 = arith.subi %sub3A_93, %add3A_91 : vector<16xi32>
    %jit3A_95 = arith.constant 26 : i32
    %div3A_96 = vector.broadcast %jit3A_95 : i32 to vector<16xi32>
    %div3A_97 = arith.divsi %sub3A_94, %div3A_96 : vector<16xi32>
    %sign3A_98 = arith.constant 0 : i32
    %sign3A_99 = vector.broadcast %sign3A_98 : i32 to vector<16xi32>
    %sign3A_100 = arith.cmpi sgt, %sub3A_94, %sign3A_99 : vector<16xi32>
    %sign3A_101 = arith.extui %sign3A_100 : vector<16xi1> to vector<16xi32>
    %sign3A_102 = arith.constant 0 : i32
    %sign3A_103 = vector.broadcast %sign3A_102 : i32 to vector<16xi32>
    %sign3A_104 = arith.cmpi slt, %sub3A_94, %sign3A_103 : vector<16xi32>
    %sign3A_105 = arith.extui %sign3A_104 : vector<16xi1> to vector<16xi32>
    %sign3A_106 = arith.subi %sign3A_101, %sign3A_105 : vector<16xi32>
    %sign3A_107 = arith.constant 0 : i32
    %sign3A_108 = arith.cmpi sgt, %jit3A_95, %sign3A_107 : i32
    %sign3A_109 = arith.extui %sign3A_108 : i1 to i32
    %sign3A_110 = arith.constant 0 : i32
    %sign3A_111 = arith.cmpi slt, %jit3A_95, %sign3A_110 : i32
    %sign3A_112 = arith.extui %sign3A_111 : i1 to i32
    %sign3A_113 = arith.subi %sign3A_109, %sign3A_112 : i32
    %ne3A_114 = vector.broadcast %sign3A_113 : i32 to vector<16xi32>
    %ne3A_115 = arith.cmpi ne, %sign3A_106, %ne3A_114 : vector<16xi32>
    %rem3A_116 = vector.broadcast %jit3A_95 : i32 to vector<16xi32>
    %rem3A_117 = arith.remsi %sub3A_94, %rem3A_116 : vector<16xi32>
    %ne3A_118 = arith.constant 0 : i32
    %ne3A_119 = vector.broadcast %ne3A_118 : i32 to vector<16xi32>
    %ne3A_120 = arith.cmpi ne, %rem3A_117, %ne3A_119 : vector<16xi32>
    %and3A_121 = arith.andi %ne3A_115, %ne3A_120 : vector<16xi1>
    %sub3A_122 = arith.constant 1 : i32
    %sub3A_123 = vector.broadcast %sub3A_122 : i32 to vector<16xi32>
    %sub3A_124 = arith.subi %div3A_97, %sub3A_123 : vector<16xi32>
    %select_n3A_125 = arith.select %and3A_121, %sub3A_124, %div3A_97 : vector<16xi1>, vector<16xi32>
    %add3A_126 = arith.constant 1 : i32
    %add3A_127 = vector.broadcast %add3A_126 : i32 to vector<16xi32>
    %add3A_128 = arith.addi %select_n3A_125, %add3A_127 : vector<16xi32>
    %convert_element_type3A_129 = arith.sitofp %add3A_128 : vector<16xi32> to vector<16xf32>
    %get3A_130 = arith.constant 16 : index
    %get3A_131 = tpu.vector_load %arg12[%get3A_130] {strides = array<i32>} : memref<32xf32, #tpu.memory_space<vmem>>, vector<16xf32>,
    %div3A_132 = arith.divf %get3A_131, %convert_element_type3A_129 : vector<16xf32>
    %swap3A_133 = arith.constant 16 : index
    %swap3A_134 = tpu.vector_load %arg12[%swap3A_133] {strides = array<i32>} : memref<32xf32, #tpu.memory_space<vmem>>, vector<16xf32>,
    tpu.vector_store %arg12[%swap3A_133], %div3A_132 {strides = array<i32>} : memref<32xf32, #tpu.memory_space<vmem>>, vector<16xf32>,
    %scan3A_135 = arith.constant 0 : i32
    %scan3A_136 = arith.constant 0 : i32
    %scan3A_137 = arith.constant 512 : i32
    %scan3A_138 = arith.addi %scan3A_136, %scan3A_137 : i32
    %scan3A_139 = arith.constant 2 : i32
    scf.for %scan3A_147 = %scan3A_136 to %scan3A_138 step %scan3A_139  : i32 {
      %mul3A_148 = arith.constant 16 : i32
      %mul3A_149 = arith.muli %scan3A_147, %mul3A_148 : i32
      %add3A_150 = vector.broadcast %mul3A_149 : i32 to vector<16xi32>
      %add3A_151 = arith.addi %iota3A, %add3A_150 : vector<16xi32>
      %rem3A_152 = arith.constant 26 : i32
      %rem3A_153 = vector.broadcast %rem3A_152 : i32 to vector<16xi32>
      %rem3A_154 = arith.remsi %add3A_151, %rem3A_153 : vector<16xi32>
      %gather3A = tpu.vector_load_idx %arg12[%rem3A_154] : memref<32xf32, #tpu.memory_space<vmem>>[vector<16xi32>], vector<16xf32>,
      %swap3A_155 = arith.index_cast %mul3A_149 : i32 to index
      %swap3A_156 = tpu.vector_load %arg10[%swap3A_155] {strides = array<i32>} : memref<8192xf32, #tpu.memory_space<vmem>>, vector<16xf32>,
      tpu.vector_store %arg10[%swap3A_155], %gather3A {strides = array<i32>} : memref<8192xf32, #tpu.memory_space<vmem>>, vector<16xf32>,
      %get3A_157 = arith.index_cast %mul3A_149 : i32 to index
      %get3A_158 = tpu.vector_load %arg8[%get3A_157] {strides = array<i32>} : memref<8192xf32, #tpu.memory_space<vmem>>, vector<16xf32>,
      %sub3A_159 = arith.subf %get3A_158, %gather3A : vector<16xf32>
      %swap3A_160 = arith.index_cast %mul3A_149 : i32 to index
      %swap3A_161 = tpu.vector_load %arg11[%swap3A_160] {strides = array<i32>} : memref<8192xf32, #tpu.memory_space<vmem>>, vector<16xf32>,
      tpu.vector_store %arg11[%swap3A_160], %sub3A_159 {strides = array<i32>} : memref<8192xf32, #tpu.memory_space<vmem>>, vector<16xf32>,
      %scan3A_162 = arith.constant 1 : i32
      %scan3A_163 = arith.addi %scan3A_147, %scan3A_162 : i32
      %mul3A_164 = arith.constant 16 : i32
      %mul3A_165 = arith.muli %scan3A_163, %mul3A_164 : i32
      %add3A_166 = vector.broadcast %mul3A_165 : i32 to vector<16xi32>
      %add3A_167 = arith.addi %iota3A, %add3A_166 : vector<16xi32>
      %rem3A_168 = arith.constant 26 : i32
      %rem3A_169 = vector.broadcast %rem3A_168 : i32 to vector<16xi32>
      %rem3A_170 = arith.remsi %add3A_167, %rem3A_169 : vector<16xi32>
      %gather3A_171 = tpu.vector_load_idx %arg12[%rem3A_170] : memref<32xf32, #tpu.memory_space<vmem>>[vector<16xi32>], vector<16xf32>,
      %swap3A_172 = arith.index_cast %mul3A_165 : i32 to index
      %swap3A_173 = tpu.vector_load %arg10[%swap3A_172] {strides = array<i32>} : memref<8192xf32, #tpu.memory_space<vmem>>, vector<16xf32>,
      tpu.vector_store %arg10[%swap3A_172], %gather3A_171 {strides = array<i32>} : memref<8192xf32, #tpu.memory_space<vmem>>, vector<16xf32>,
      %get3A_174 = arith.index_cast %mul3A_165 : i32 to index
      %get3A_175 = tpu.vector_load %arg8[%get3A_174] {strides = array<i32>} : memref<8192xf32, #tpu.memory_space<vmem>>, vector<16xf32>,
      %sub3A_176 = arith.subf %get3A_175, %gather3A_171 : vector<16xf32>
      %swap3A_177 = arith.index_cast %mul3A_165 : i32 to index
      %swap3A_178 = tpu.vector_load %arg11[%swap3A_177] {strides = array<i32>} : memref<8192xf32, #tpu.memory_space<vmem>>, vector<16xf32>,
      tpu.vector_store %arg11[%swap3A_177], %sub3A_176 {strides = array<i32>} : memref<8192xf32, #tpu.memory_space<vmem>>, vector<16xf32>,
    }
    %scan3A_140 = arith.constant 512 : i32
    %mul3A_141 = arith.constant 8192 : i32
    %mul3A_142 = arith.muli %add3A, %mul3A_141 : i32
    "tpu.region"() ({
      %run_scoped3A = tpu.sem_alloc : memref<!tpu.dma_semaphore, #tpu.memory_space<semaphore_mem>>
      %dma_start3A = tpu.memref_slice %arg3[%mul3A_142] : memref<262144xf32, #tpu.memory_space<hbm>> -> memref<8192xf32, #tpu.memory_space<hbm>>
      %dma_start3A_147 = tpu.memref_slice %arg3[%mul3A_142] : memref<262144xf32, #tpu.memory_space<hbm>> -> memref<8192xf32, #tpu.memory_space<hbm>>
      tpu.enqueue_dma source(%arg9 : memref<8192xf32, #tpu.memory_space<vmem>>) target(%dma_start3A_147 : memref<8192xf32, #tpu.memory_space<hbm>>) target_semaphore(%run_scoped3A : memref<!tpu.dma_semaphore, #tpu.memory_space<semaphore_mem>>)
      %dma_wait3A = tpu.memref_slice %arg3[%mul3A_142] : memref<262144xf32, #tpu.memory_space<hbm>> -> memref<8192xf32, #tpu.memory_space<hbm>>
      %dma_wait3A_148 = tpu.memref_slice %arg3[%mul3A_142] : memref<262144xf32, #tpu.memory_space<hbm>> -> memref<8192xf32, #tpu.memory_space<hbm>>
      tpu.wait_dma2 semaphore(%run_scoped3A : memref<!tpu.dma_semaphore, #tpu.memory_space<semaphore_mem>>) src(%arg9 : memref<8192xf32, #tpu.memory_space<vmem>>) dst(%dma_wait3A_148 : memref<8192xf32, #tpu.memory_space<hbm>>)
      tpu.yield
    }) : () -> ()
    %mul3A_143 = arith.constant 8192 : i32
    %mul3A_144 = arith.muli %add3A, %mul3A_143 : i32
    "tpu.region"() ({
      %run_scoped3A = tpu.sem_alloc : memref<!tpu.dma_semaphore, #tpu.memory_space<semaphore_mem>>
      %dma_start3A = tpu.memref_slice %arg4[%mul3A_144] : memref<262144xf32, #tpu.memory_space<hbm>> -> memref<8192xf32, #tpu.memory_space<hbm>>
      %dma_start3A_147 = tpu.memref_slice %arg4[%mul3A_144] : memref<262144xf32, #tpu.memory_space<hbm>> -> memref<8192xf32, #tpu.memory_space<hbm>>
      tpu.enqueue_dma source(%arg10 : memref<8192xf32, #tpu.memory_space<vmem>>) target(%dma_start3A_147 : memref<8192xf32, #tpu.memory_space<hbm>>) target_semaphore(%run_scoped3A : memref<!tpu.dma_semaphore, #tpu.memory_space<semaphore_mem>>)
      %dma_wait3A = tpu.memref_slice %arg4[%mul3A_144] : memref<262144xf32, #tpu.memory_space<hbm>> -> memref<8192xf32, #tpu.memory_space<hbm>>
      %dma_wait3A_148 = tpu.memref_slice %arg4[%mul3A_144] : memref<262144xf32, #tpu.memory_space<hbm>> -> memref<8192xf32, #tpu.memory_space<hbm>>
      tpu.wait_dma2 semaphore(%run_scoped3A : memref<!tpu.dma_semaphore, #tpu.memory_space<semaphore_mem>>) src(%arg10 : memref<8192xf32, #tpu.memory_space<vmem>>) dst(%dma_wait3A_148 : memref<8192xf32, #tpu.memory_space<hbm>>)
      tpu.yield
    }) : () -> ()
    %mul3A_145 = arith.constant 8192 : i32
    %mul3A_146 = arith.muli %add3A, %mul3A_145 : i32
    "tpu.region"() ({
      %run_scoped3A = tpu.sem_alloc : memref<!tpu.dma_semaphore, #tpu.memory_space<semaphore_mem>>
      %dma_start3A = tpu.memref_slice %arg5[%mul3A_146] : memref<262144xf32, #tpu.memory_space<hbm>> -> memref<8192xf32, #tpu.memory_space<hbm>>
      %dma_start3A_147 = tpu.memref_slice %arg5[%mul3A_146] : memref<262144xf32, #tpu.memory_space<hbm>> -> memref<8192xf32, #tpu.memory_space<hbm>>
      tpu.enqueue_dma source(%arg11 : memref<8192xf32, #tpu.memory_space<vmem>>) target(%dma_start3A_147 : memref<8192xf32, #tpu.memory_space<hbm>>) target_semaphore(%run_scoped3A : memref<!tpu.dma_semaphore, #tpu.memory_space<semaphore_mem>>)
      %dma_wait3A = tpu.memref_slice %arg5[%mul3A_146] : memref<262144xf32, #tpu.memory_space<hbm>> -> memref<8192xf32, #tpu.memory_space<hbm>>
      %dma_wait3A_148 = tpu.memref_slice %arg5[%mul3A_146] : memref<262144xf32, #tpu.memory_space<hbm>> -> memref<8192xf32, #tpu.memory_space<hbm>>
      tpu.wait_dma2 semaphore(%run_scoped3A : memref<!tpu.dma_semaphore, #tpu.memory_space<semaphore_mem>>) src(%arg11 : memref<8192xf32, #tpu.memory_space<vmem>>) dst(%dma_wait3A_148 : memref<8192xf32, #tpu.memory_space<hbm>>)
      tpu.yield
    }) : () -> ()
    return
  }
}

module attributes {stable_mosaic.version = 14 : i64} {
  func.func @_body(%arg0: i32, %arg1: memref<2048x128xf32, #tpu.memory_space<vmem>>, %arg2: memref<8x8192xf32, #tpu.memory_space<vmem>>, %arg3: memref<8192x32xbf16, #tpu.memory_space<vmem>>, %arg4: memref<32x8192xbf16, #tpu.memory_space<vmem>>, %arg5: memref<2048x128xf32, #tpu.memory_space<vmem>>, %arg6: memref<2048x128xf32, #tpu.memory_space<vmem>>, %arg7: memref<2048x128xf32, #tpu.memory_space<vmem>>, %arg8: memref<32x8576xf32, #tpu.memory_space<vmem>>, %arg9: memref<32x8576xf32, #tpu.memory_space<vmem>>, %arg10: memref<32x8576xf32, #tpu.memory_space<vmem>>) attributes {dimension_semantics = [#tpu.dimension_semantics<arbitrary>], iteration_bounds = array<i64: 7>, scalar_prefetch = 0 : i64, scratch_operands = 3 : i64, tpu.core_type = #tpu.core_type<tc>, window_params = [{transform_indices = @transform_0, window_bounds = array<i64: 2048, 128>}, {pipeline_mode = #tpu.pipeline_mode<synchronous>, transform_indices = @transform_1, window_bounds = array<i64: 8, 8192>}, {pipeline_mode = #tpu.pipeline_mode<synchronous>, transform_indices = @transform_2, window_bounds = array<i64: 8192, 32>}, {pipeline_mode = #tpu.pipeline_mode<synchronous>, transform_indices = @transform_3, window_bounds = array<i64: 32, 8192>}, {transform_indices = @transform_4, window_bounds = array<i64: 2048, 128>}, {transform_indices = @transform_5, window_bounds = array<i64: 2048, 128>}, {transform_indices = @transform_6, window_bounds = array<i64: 2048, 128>}]} {
    %eq3A = arith.constant 0 : i32
    %eq3A_0 = arith.cmpi eq, %arg0, %eq3A : i32
    %convert_element_type3A = arith.extui %eq3A_0 : i1 to i32
    %cond3A = arith.constant 0 : i32
    %cond3A_1 = arith.cmpi ne, %convert_element_type3A, %cond3A : i32
    scf.if %cond3A_1 {
      %broadcast_in_dim3A = arith.constant 0.000000e+00 : f32
      %broadcast_in_dim3A_165 = vector.broadcast %broadcast_in_dim3A : f32 to vector<32x128xf32>
      %swap3A_166 = arith.constant 0 : index
      %swap3A_167 = arith.constant 0 : index
      %swap3A_168 = vector.load %arg8[%swap3A_166, %swap3A_167] : memref<32x8576xf32, #tpu.memory_space<vmem>>, vector<32x128xf32>
      tpu.vector_store %arg8[%swap3A_166, %swap3A_167], %broadcast_in_dim3A_165 {strides = array<i32>} : memref<32x8576xf32, #tpu.memory_space<vmem>>, vector<32x128xf32>,
      %broadcast_in_dim3A_169 = arith.constant 0.000000e+00 : f32
      %broadcast_in_dim3A_170 = vector.broadcast %broadcast_in_dim3A_169 : f32 to vector<32x256xf32>
      %swap3A_171 = arith.constant 0 : index
      %swap3A_172 = arith.constant 8320 : index
      %swap3A_173 = vector.load %arg8[%swap3A_171, %swap3A_172] : memref<32x8576xf32, #tpu.memory_space<vmem>>, vector<32x256xf32>
      tpu.vector_store %arg8[%swap3A_171, %swap3A_172], %broadcast_in_dim3A_170 {strides = array<i32>} : memref<32x8576xf32, #tpu.memory_space<vmem>>, vector<32x256xf32>,
      %swap3A_174 = arith.constant 0 : index
      %swap3A_175 = arith.constant 8448 : index
      %swap3A_176 = vector.load %arg9[%swap3A_174, %swap3A_175] : memref<32x8576xf32, #tpu.memory_space<vmem>>, vector<32x128xf32>
      tpu.vector_store %arg9[%swap3A_174, %swap3A_175], %broadcast_in_dim3A_165 {strides = array<i32>} : memref<32x8576xf32, #tpu.memory_space<vmem>>, vector<32x128xf32>,
      %swap3A_177 = arith.constant 0 : index
      %swap3A_178 = arith.constant 8448 : index
      %swap3A_179 = vector.load %arg10[%swap3A_177, %swap3A_178] : memref<32x8576xf32, #tpu.memory_space<vmem>>, vector<32x128xf32>
      tpu.vector_store %arg10[%swap3A_177, %swap3A_178], %broadcast_in_dim3A_165 {strides = array<i32>} : memref<32x8576xf32, #tpu.memory_space<vmem>>, vector<32x128xf32>,
    } else {
    }
    %get3A = arith.constant 0 : index
    %get3A_2 = arith.constant 0 : index
    %get3A_3 = vector.load %arg1[%get3A, %get3A_2] : memref<2048x128xf32, #tpu.memory_space<vmem>>, vector<2048x128xf32>
    %reshape3A = vector.shape_cast %get3A_3 : vector<2048x128xf32> to vector<32x8192xf32>
    %swap3A = arith.constant 0 : index
    %swap3A_4 = arith.constant 128 : index
    %swap3A_5 = vector.load %arg8[%swap3A, %swap3A_4] : memref<32x8576xf32, #tpu.memory_space<vmem>>, vector<32x8192xf32>
    tpu.vector_store %arg8[%swap3A, %swap3A_4], %reshape3A {strides = array<i32>} : memref<32x8576xf32, #tpu.memory_space<vmem>>, vector<32x8192xf32>,
    %get3A_6 = arith.constant 0 : index
    %get3A_7 = arith.constant 0 : index
    %get3A_8 = vector.load %arg8[%get3A_6, %get3A_7] : memref<32x8576xf32, #tpu.memory_space<vmem>>, vector<32x8448xf32>
    %get3A_9 = arith.constant 0 : index
    %get3A_10 = arith.constant 1 : index
    %get3A_11 = vector.load %arg8[%get3A_9, %get3A_10] : memref<32x8576xf32, #tpu.memory_space<vmem>>, vector<32x8448xf32>
    %add3A = arith.addf %get3A_8, %get3A_11 : vector<32x8448xf32>
    %swap3A_12 = arith.constant 0 : index
    %swap3A_13 = arith.constant 0 : index
    %swap3A_14 = vector.load %arg9[%swap3A_12, %swap3A_13] : memref<32x8576xf32, #tpu.memory_space<vmem>>, vector<32x8448xf32>
    tpu.vector_store %arg9[%swap3A_12, %swap3A_13], %add3A {strides = array<i32>} : memref<32x8576xf32, #tpu.memory_space<vmem>>, vector<32x8448xf32>,
    %get3A_15 = arith.constant 0 : index
    %get3A_16 = arith.constant 0 : index
    %get3A_17 = vector.load %arg9[%get3A_15, %get3A_16] : memref<32x8576xf32, #tpu.memory_space<vmem>>, vector<32x8448xf32>
    %get3A_18 = arith.constant 0 : index
    %get3A_19 = arith.constant 2 : index
    %get3A_20 = vector.load %arg8[%get3A_18, %get3A_19] : memref<32x8576xf32, #tpu.memory_space<vmem>>, vector<32x8448xf32>
    %add3A_21 = arith.addf %get3A_17, %get3A_20 : vector<32x8448xf32>
    %swap3A_22 = arith.constant 0 : index
    %swap3A_23 = arith.constant 0 : index
    %swap3A_24 = vector.load %arg10[%swap3A_22, %swap3A_23] : memref<32x8576xf32, #tpu.memory_space<vmem>>, vector<32x8448xf32>
    tpu.vector_store %arg10[%swap3A_22, %swap3A_23], %add3A_21 {strides = array<i32>} : memref<32x8576xf32, #tpu.memory_space<vmem>>, vector<32x8448xf32>,
    %get3A_25 = arith.constant 0 : index
    %get3A_26 = arith.constant 0 : index
    %get3A_27 = vector.load %arg10[%get3A_25, %get3A_26] : memref<32x8576xf32, #tpu.memory_space<vmem>>, vector<32x8448xf32>
    %get3A_28 = arith.constant 0 : index
    %get3A_29 = arith.constant 3 : index
    %get3A_30 = vector.load %arg10[%get3A_28, %get3A_29] : memref<32x8576xf32, #tpu.memory_space<vmem>>, vector<32x8448xf32>
    %add3A_31 = arith.addf %get3A_27, %get3A_30 : vector<32x8448xf32>
    %swap3A_32 = arith.constant 0 : index
    %swap3A_33 = arith.constant 0 : index
    %swap3A_34 = vector.load %arg9[%swap3A_32, %swap3A_33] : memref<32x8576xf32, #tpu.memory_space<vmem>>, vector<32x8448xf32>
    tpu.vector_store %arg9[%swap3A_32, %swap3A_33], %add3A_31 {strides = array<i32>} : memref<32x8576xf32, #tpu.memory_space<vmem>>, vector<32x8448xf32>,
    %get3A_35 = arith.constant 0 : index
    %get3A_36 = arith.constant 0 : index
    %get3A_37 = vector.load %arg9[%get3A_35, %get3A_36] : memref<32x8576xf32, #tpu.memory_space<vmem>>, vector<32x8448xf32>
    %get3A_38 = arith.constant 0 : index
    %get3A_39 = arith.constant 6 : index
    %get3A_40 = vector.load %arg9[%get3A_38, %get3A_39] : memref<32x8576xf32, #tpu.memory_space<vmem>>, vector<32x8448xf32>
    %add3A_41 = arith.addf %get3A_37, %get3A_40 : vector<32x8448xf32>
    %swap3A_42 = arith.constant 0 : index
    %swap3A_43 = arith.constant 0 : index
    %swap3A_44 = vector.load %arg10[%swap3A_42, %swap3A_43] : memref<32x8576xf32, #tpu.memory_space<vmem>>, vector<32x8448xf32>
    tpu.vector_store %arg10[%swap3A_42, %swap3A_43], %add3A_41 {strides = array<i32>} : memref<32x8576xf32, #tpu.memory_space<vmem>>, vector<32x8448xf32>,
    %get3A_45 = arith.constant 0 : index
    %get3A_46 = arith.constant 0 : index
    %get3A_47 = vector.load %arg10[%get3A_45, %get3A_46] : memref<32x8576xf32, #tpu.memory_space<vmem>>, vector<32x8448xf32>
    %get3A_48 = arith.constant 0 : index
    %get3A_49 = arith.constant 12 : index
    %get3A_50 = vector.load %arg10[%get3A_48, %get3A_49] : memref<32x8576xf32, #tpu.memory_space<vmem>>, vector<32x8448xf32>
    %add3A_51 = arith.addf %get3A_47, %get3A_50 : vector<32x8448xf32>
    %swap3A_52 = arith.constant 0 : index
    %swap3A_53 = arith.constant 0 : index
    %swap3A_54 = vector.load %arg9[%swap3A_52, %swap3A_53] : memref<32x8576xf32, #tpu.memory_space<vmem>>, vector<32x8448xf32>
    tpu.vector_store %arg9[%swap3A_52, %swap3A_53], %add3A_51 {strides = array<i32>} : memref<32x8576xf32, #tpu.memory_space<vmem>>, vector<32x8448xf32>,
    %get3A_55 = arith.constant 0 : index
    %get3A_56 = arith.constant 116 : index
    %get3A_57 = vector.load %arg9[%get3A_55, %get3A_56] : memref<32x8576xf32, #tpu.memory_space<vmem>>, vector<32x8192xf32>
    %get3A_58 = arith.constant 0 : index
    %get3A_59 = arith.constant 140 : index
    %get3A_60 = vector.load %arg8[%get3A_58, %get3A_59] : memref<32x8576xf32, #tpu.memory_space<vmem>>, vector<32x8192xf32>
    %add3A_61 = arith.addf %get3A_57, %get3A_60 : vector<32x8192xf32>
    %get3A_62 = arith.constant 0 : index
    %get3A_63 = arith.constant 115 : index
    %get3A_64 = vector.load %arg8[%get3A_62, %get3A_63] : memref<32x8576xf32, #tpu.memory_space<vmem>>, vector<32x8192xf32>
    %get3A_65 = arith.constant 0 : index
    %get3A_66 = arith.constant 141 : index
    %get3A_67 = vector.load %arg8[%get3A_65, %get3A_66] : memref<32x8576xf32, #tpu.memory_space<vmem>>, vector<32x8192xf32>
    %get3A_68 = arith.constant 0 : index
    %get3A_69 = arith.constant 0 : index
    %get3A_70 = vector.load %arg2[%get3A_68, %get3A_69] : memref<8x8192xf32, #tpu.memory_space<vmem>>, vector<1x8192xf32>
    %get3A_71 = arith.constant 1 : index
    %get3A_72 = arith.constant 0 : index
    %get3A_73 = vector.load %arg2[%get3A_71, %get3A_72] : memref<8x8192xf32, #tpu.memory_space<vmem>>, vector<1x8192xf32>
    %get3A_74 = arith.constant 2 : index
    %get3A_75 = arith.constant 0 : index
    %get3A_76 = vector.load %arg2[%get3A_74, %get3A_75] : memref<8x8192xf32, #tpu.memory_space<vmem>>, vector<1x8192xf32>
    %slice3A = vector.extract_strided_slice %reshape3A {offsets = [0, 0], sizes = [32, 1], strides = [1, 1]} : vector<32x8192xf32> to vector<32x1xf32>
    %slice3A_77 = vector.extract_strided_slice %reshape3A {offsets = [0, 8191], sizes = [32, 1], strides = [1, 1]} : vector<32x8192xf32> to vector<32x1xf32>
    %sub3A = arith.constant 1.000000e+00 : f32
    %sub3A_78 = vector.broadcast %sub3A : f32 to vector<1x8192xf32>
    %sub3A_79 = arith.subf %sub3A_78, %get3A_70 : vector<1x8192xf32>
    %mul3A = vector.broadcast %sub3A_79 : vector<1x8192xf32> to vector<32x8192xf32>
    %mul3A_80 = arith.mulf %mul3A, %get3A_64 : vector<32x8192xf32>
    %add3A_81 = arith.addf %add3A_61, %mul3A_80 : vector<32x8192xf32>
    %mul3A_82 = vector.broadcast %get3A_70 : vector<1x8192xf32> to vector<32x8192xf32>
    %mul3A_83 = arith.mulf %mul3A_82, %get3A_67 : vector<32x8192xf32>
    %add3A_84 = arith.addf %add3A_81, %mul3A_83 : vector<32x8192xf32>
    %mul3A_85 = vector.broadcast %get3A_73 : vector<1x8192xf32> to vector<32x8192xf32>
    %mul3A_86 = vector.broadcast %slice3A : vector<32x1xf32> to vector<32x8192xf32>
    %mul3A_87 = arith.mulf %mul3A_85, %mul3A_86 : vector<32x8192xf32>
    %add3A_88 = arith.addf %add3A_84, %mul3A_87 : vector<32x8192xf32>
    %mul3A_89 = vector.broadcast %get3A_76 : vector<1x8192xf32> to vector<32x8192xf32>
    %mul3A_90 = vector.broadcast %slice3A_77 : vector<32x1xf32> to vector<32x8192xf32>
    %mul3A_91 = arith.mulf %mul3A_89, %mul3A_90 : vector<32x8192xf32>
    %add3A_92 = arith.addf %add3A_88, %mul3A_91 : vector<32x8192xf32>
    %mul3A_93 = arith.constant 0.0384615399 : f32
    %mul3A_94 = vector.broadcast %mul3A_93 : f32 to vector<32x8192xf32>
    %mul3A_95 = arith.mulf %add3A_92, %mul3A_94 : vector<32x8192xf32>
    %sub3A_96 = arith.subf %reshape3A, %mul3A_95 : vector<32x8192xf32>
    %convert_element_type3A_97 = arith.truncf %sub3A_96 : vector<32x8192xf32> to vector<32x8192xbf16>
    %convert_element_type3A_98 = arith.extf %convert_element_type3A_97 : vector<32x8192xbf16> to vector<32x8192xf32>
    %sub3A_99 = arith.subf %sub3A_96, %convert_element_type3A_98 : vector<32x8192xf32>
    %convert_element_type3A_100 = arith.truncf %sub3A_99 : vector<32x8192xf32> to vector<32x8192xbf16>
    %get3A_101 = arith.constant 0 : index
    %get3A_102 = arith.constant 0 : index
    %get3A_103 = vector.load %arg3[%get3A_101, %get3A_102] : memref<8192x32xbf16, #tpu.memory_space<vmem>>, vector<8192x32xbf16>
    %dot_general3A = arith.constant dense<0.000000e+00> : vector<32x32xf32>
    %dot_general3A_104 = tpu.matmul %convert_element_type3A_97, %get3A_103, %dot_general3A {dimension_numbers = #tpu.dot_dimension_numbers<[1], [0], [0], [1], [0, 0, 1, 1], [], []>, transpose_lhs_hint = false} : vector<32x8192xbf16>, vector<8192x32xbf16>, vector<32x32xf32> -> vector<32x32xf32>
    %dot_general3A_105 = arith.constant dense<0.000000e+00> : vector<32x32xf32>
    %dot_general3A_106 = tpu.matmul %convert_element_type3A_100, %get3A_103, %dot_general3A_105 {dimension_numbers = #tpu.dot_dimension_numbers<[1], [0], [0], [1], [0, 0, 1, 1], [], []>, transpose_lhs_hint = false} : vector<32x8192xbf16>, vector<8192x32xbf16>, vector<32x32xf32> -> vector<32x32xf32>
    %add3A_107 = arith.addf %dot_general3A_104, %dot_general3A_106 : vector<32x32xf32>
    %iota3A = tpu.iota {dimensions = array<i32: 1>} : vector<32x32xi32>
    %sub3A_108 = arith.constant 8191 : i32
    %sub3A_109 = vector.broadcast %sub3A_108 : i32 to vector<32x32xi32>
    %sub3A_110 = arith.subi %sub3A_109, %iota3A : vector<32x32xi32>
    %jit3A = arith.constant 26 : i32
    %div3A = vector.broadcast %jit3A : i32 to vector<32x32xi32>
    %div3A_111 = arith.divsi %sub3A_110, %div3A : vector<32x32xi32>
    %sign3A = arith.constant 0 : i32
    %sign3A_112 = vector.broadcast %sign3A : i32 to vector<32x32xi32>
    %sign3A_113 = arith.cmpi sgt, %sub3A_110, %sign3A_112 : vector<32x32xi32>
    %sign3A_114 = arith.extui %sign3A_113 : vector<32x32xi1> to vector<32x32xi32>
    %sign3A_115 = arith.constant 0 : i32
    %sign3A_116 = vector.broadcast %sign3A_115 : i32 to vector<32x32xi32>
    %sign3A_117 = arith.cmpi slt, %sub3A_110, %sign3A_116 : vector<32x32xi32>
    %sign3A_118 = arith.extui %sign3A_117 : vector<32x32xi1> to vector<32x32xi32>
    %sign3A_119 = arith.subi %sign3A_114, %sign3A_118 : vector<32x32xi32>
    %sign3A_120 = arith.constant 0 : i32
    %sign3A_121 = arith.cmpi sgt, %jit3A, %sign3A_120 : i32
    %sign3A_122 = arith.extui %sign3A_121 : i1 to i32
    %sign3A_123 = arith.constant 0 : i32
    %sign3A_124 = arith.cmpi slt, %jit3A, %sign3A_123 : i32
    %sign3A_125 = arith.extui %sign3A_124 : i1 to i32
    %sign3A_126 = arith.subi %sign3A_122, %sign3A_125 : i32
    %ne3A = vector.broadcast %sign3A_126 : i32 to vector<32x32xi32>
    %ne3A_127 = arith.cmpi ne, %sign3A_119, %ne3A : vector<32x32xi32>
    %rem3A = vector.broadcast %jit3A : i32 to vector<32x32xi32>
    %rem3A_128 = arith.remsi %sub3A_110, %rem3A : vector<32x32xi32>
    %ne3A_129 = arith.constant 0 : i32
    %ne3A_130 = vector.broadcast %ne3A_129 : i32 to vector<32x32xi32>
    %ne3A_131 = arith.cmpi ne, %rem3A_128, %ne3A_130 : vector<32x32xi32>
    %and3A = arith.andi %ne3A_127, %ne3A_131 : vector<32x32xi1>
    %sub3A_132 = arith.constant 1 : i32
    %sub3A_133 = vector.broadcast %sub3A_132 : i32 to vector<32x32xi32>
    %sub3A_134 = arith.subi %div3A_111, %sub3A_133 : vector<32x32xi32>
    %select_n3A = arith.select %and3A, %sub3A_134, %div3A_111 : vector<32x32xi1>, vector<32x32xi32>
    %add3A_135 = arith.constant 1 : i32
    %add3A_136 = vector.broadcast %add3A_135 : i32 to vector<32x32xi32>
    %add3A_137 = arith.addi %select_n3A, %add3A_136 : vector<32x32xi32>
    %convert_element_type3A_138 = arith.sitofp %add3A_137 : vector<32x32xi32> to vector<32x32xf32>
    %div3A_139 = arith.divf %add3A_107, %convert_element_type3A_138 : vector<32x32xf32>
    %convert_element_type3A_140 = arith.truncf %div3A_139 : vector<32x32xf32> to vector<32x32xbf16>
    %convert_element_type3A_141 = arith.extf %convert_element_type3A_140 : vector<32x32xbf16> to vector<32x32xf32>
    %sub3A_142 = arith.subf %div3A_139, %convert_element_type3A_141 : vector<32x32xf32>
    %convert_element_type3A_143 = arith.truncf %sub3A_142 : vector<32x32xf32> to vector<32x32xbf16>
    %get3A_144 = arith.constant 0 : index
    %get3A_145 = arith.constant 0 : index
    %get3A_146 = vector.load %arg4[%get3A_144, %get3A_145] : memref<32x8192xbf16, #tpu.memory_space<vmem>>, vector<32x8192xbf16>
    %dot_general3A_147 = arith.constant dense<0.000000e+00> : vector<32x8192xf32>
    %dot_general3A_148 = tpu.matmul %convert_element_type3A_140, %get3A_146, %dot_general3A_147 {dimension_numbers = #tpu.dot_dimension_numbers<[1], [0], [0], [1], [0, 0, 1, 1], [], []>, transpose_lhs_hint = false} : vector<32x32xbf16>, vector<32x8192xbf16>, vector<32x8192xf32> -> vector<32x8192xf32>
    %dot_general3A_149 = arith.constant dense<0.000000e+00> : vector<32x8192xf32>
    %dot_general3A_150 = tpu.matmul %convert_element_type3A_143, %get3A_146, %dot_general3A_149 {dimension_numbers = #tpu.dot_dimension_numbers<[1], [0], [0], [1], [0, 0, 1, 1], [], []>, transpose_lhs_hint = false} : vector<32x32xbf16>, vector<32x8192xbf16>, vector<32x8192xf32> -> vector<32x8192xf32>
    %add3A_151 = arith.addf %dot_general3A_148, %dot_general3A_150 : vector<32x8192xf32>
    %reshape3A_152 = vector.shape_cast %mul3A_95 : vector<32x8192xf32> to vector<2048x128xf32>
    %swap3A_153 = arith.constant 0 : index
    %swap3A_154 = arith.constant 0 : index
    %swap3A_155 = vector.load %arg5[%swap3A_153, %swap3A_154] : memref<2048x128xf32, #tpu.memory_space<vmem>>, vector<2048x128xf32>
    tpu.vector_store %arg5[%swap3A_153, %swap3A_154], %reshape3A_152 {strides = array<i32>} : memref<2048x128xf32, #tpu.memory_space<vmem>>, vector<2048x128xf32>,
    %reshape3A_156 = vector.shape_cast %add3A_151 : vector<32x8192xf32> to vector<2048x128xf32>
    %swap3A_157 = arith.constant 0 : index
    %swap3A_158 = arith.constant 0 : index
    %swap3A_159 = vector.load %arg6[%swap3A_157, %swap3A_158] : memref<2048x128xf32, #tpu.memory_space<vmem>>, vector<2048x128xf32>
    tpu.vector_store %arg6[%swap3A_157, %swap3A_158], %reshape3A_156 {strides = array<i32>} : memref<2048x128xf32, #tpu.memory_space<vmem>>, vector<2048x128xf32>,
    %sub3A_160 = arith.subf %sub3A_96, %add3A_151 : vector<32x8192xf32>
    %reshape3A_161 = vector.shape_cast %sub3A_160 : vector<32x8192xf32> to vector<2048x128xf32>
    %swap3A_162 = arith.constant 0 : index
    %swap3A_163 = arith.constant 0 : index
    %swap3A_164 = vector.load %arg7[%swap3A_162, %swap3A_163] : memref<2048x128xf32, #tpu.memory_space<vmem>>, vector<2048x128xf32>
    tpu.vector_store %arg7[%swap3A_162, %swap3A_163], %reshape3A_161 {strides = array<i32>} : memref<2048x128xf32, #tpu.memory_space<vmem>>, vector<2048x128xf32>,
    return
  }
  func.func @transform_0(%arg0: i32) -> (i32, i32) {
    %c0_i32 = arith.constant 0 : i32
    %c0_i32_0 = arith.constant 0 : i32
    return %arg0, %c0_i32 : i32, i32
  }
  func.func @transform_1(%arg0: i32) -> (i32, i32) {
    %c0_i32 = arith.constant 0 : i32
    %c0_i32_0 = arith.constant 0 : i32
    %c0_i32_1 = arith.constant 0 : i32
    return %c0_i32, %c0_i32_0 : i32, i32
  }
  func.func @transform_2(%arg0: i32) -> (i32, i32) {
    %c0_i32 = arith.constant 0 : i32
    %c0_i32_0 = arith.constant 0 : i32
    %c0_i32_1 = arith.constant 0 : i32
    return %c0_i32, %c0_i32_0 : i32, i32
  }
  func.func @transform_3(%arg0: i32) -> (i32, i32) {
    %c0_i32 = arith.constant 0 : i32
    %c0_i32_0 = arith.constant 0 : i32
    %c0_i32_1 = arith.constant 0 : i32
    return %c0_i32, %c0_i32_0 : i32, i32
  }
  func.func @transform_4(%arg0: i32) -> (i32, i32) {
    %c0_i32 = arith.constant 0 : i32
    %c0_i32_0 = arith.constant 0 : i32
    return %arg0, %c0_i32 : i32, i32
  }
  func.func @transform_5(%arg0: i32) -> (i32, i32) {
    %c0_i32 = arith.constant 0 : i32
    %c0_i32_0 = arith.constant 0 : i32
    return %arg0, %c0_i32 : i32, i32
  }
  func.func @transform_6(%arg0: i32) -> (i32, i32) {
    %c0_i32 = arith.constant 0 : i32
    %c0_i32_0 = arith.constant 0 : i32
    return %arg0, %c0_i32 : i32, i32
  }
}

</mosaic_0001>

<sc_bundles>
// kernel: kernel.4.cloned.1.call-start
scs
__scs_entry_jumppad:
0x0: {  	(pc) =	sbr.rel $0x88, $3  }
0x1: {  	(tag) =	ssettag $0x0;
	lr =	simm.s32 $0x1  }
0x2: {  	[smem:$0x3FA0] =	sst lr;
	_ =	strace $0xD0000000  }
0x3: {  	_ = 	snop  }
0x4: {  	_ = 	snop  }
0x5: {  	_ = 	snop  }
0x6: {  	_ = 	snop  }
0x7: {  	_ = 	snop  }
__scs_overlays_trampoline_lowered:
0x8: {  	[smem:$0x3FAF] =	sst s0  }
0x9: {  	[smem:$0x3FB0] =	sst s1  }
0xa: {  	[smem:$0x3FB1] =	sst s2  }
0xb: {  	[smem:$0x3FB2] =	sst s3  }
0xc: {  	[smem:$0x3FB3] =	sst s4  }
0xd: {  	[smem:$0x3FB4] =	sst s5  }
0xe: {  	[smem:$0x3FB5] =	sst s6  }
0xf: {  	[smem:$0x3FB6] =	sst s7  }
0x10: {  	[smem:$0x3FB7] =	sst s8  }
0x11: {  	[smem:$0x3FB8] =	sst s9;
	s0 =	simm.s32 @!p0 $0x0  }
0x12: {  	s1 =	sld [smem:$0x3F9E];
	s0 =	simm.s32 @p0 $0x1  }
0x13: {  	[smem:$0x3FB9] =	sst s0;
	s0 =	simm.s32 @!p1 $0x0  }
0x14: {  	s2 =	sld [smem:$0x3F9D];
	s0 =	simm.s32 @p1 $0x1  }
0x15: {  	[smem:$0x3FBA] =	sst s0;
	s0 =	simm.s32 @!p2 $0x0  }
0x16: {  	s3 =	sld [smem:$0x3FDB];
	s0 =	simm.s32 @p2 $0x1  }
0x17: {  	s4 =	simm.s32 $0x1BF5;
	[smem:$0x3FBC] =	sst s0  }
0x18: {  	s0 =	sld [smem:$0x3F9F];
	_ =	swait.ge [sflag:s4], $0x0  }
0x19: {  	s7 =	sld [smem:$0x3FA0]  }
0x1a: {  	s8 =	sadd.s32 $0xFFFFE003, lr  }
0x1b: {  	s9 =	sadd.s32 $0xFFFFFEF7, lr;
	s5 =	simm.s32 $0xFFFFFFFF;
	p2 =	slt.u32 s8, $0xFFFFF086  }
0x1c: {  	p1 =	slt.u32 s9, $0xF7A;
	s5 =	simm.s32 @!p2 $0x0  }
0x1d: {  	s5 =	simm.s32 @p1 $0x1;
	p0 =	seq.s32 s7, s2  }
0x1e: {  	s7 =	smul.u32 @!p0 $0xF7A, s2;
	p2 =	seq.s32 @!p0 s5, $0x0  }
0x1f: {  	s9 =	smul.u32 $0xF7A, s1;
	s8 =	simm.s32 @!p0 $0x1BF5;
	p2 =	por !p2, p0  }
0x20: {  	[sflag:s8] =	ssyncset.s32 @!p0 $0xFFFFF086;
	s6 =	sadd.s32 @!p0 s3, s7;
	s7 =	simm.s32 @!p0 $0x108  }
0x21: {  	s3 =	sadd.s32 s3, s9;
	s6 =	sadd.s32 @!p0 $0x88, s6;
	s7 =	simm.s32 @p2 $0x1082  }
0x22: {  	[simem:s7], [sflag:s8] =	dma.local @!p0 [hbm:s6], $0xF7A  }
0x23: {  	s9 =	sor.u32 $0xD0000000, s2;
	s6 =	simm.s32 $0x108;
	_ =	swait.ge @!p0 [sflag:s8], $0x0  }
0x24: {  	s3 =	sadd.s32 $0x88, s3;
	s6 =	simm.s32 @!p1 $0x1082;
	[sflag:s4] =	ssyncset.s32 $0xFFFFF086  }
0x25: {  	[simem:s6], [sflag:s4] =	dma.local [hbm:s3], $0xF7A  }
0x26: {  	[smem:$0x3FA0] =	sst s1;
	(tag) =	ssettag s2;
	_ =	strace s9  }
0x27: {  	s1 =	sld [smem:$0x3FB0]  }
0x28: {  	s2 =	sld [smem:$0x3FB1]  }
0x29: {  	s4 =	sld [smem:$0x3FB3]  }
0x2a: {  	p0 =	seq.s32 s5, $0x0;
	s5 =	sld [smem:$0x3FB4]  }
0x2b: {  	s6 =	sld [smem:$0x3FB5]  }
0x2c: {  	s7 =	sld [smem:$0x3FB6]  }
0x2d: {  	s3 =	simm.s32 $0x108;
	s8 =	sld [smem:$0x3FB7]  }
0x2e: {  	s3 =	simm.s32 @!p0 $0x1082;
	s9 =	sld [smem:$0x3FB8]  }
0x2f: {  	lr =	sadd.s32 s0, s3;
	s0 =	sld [smem:$0x3FAF]  }
0x30: {  	s3 =	sld [smem:$0x3FB2]  }
0x31: {  	[smem:$0x3FBB] =	sst s10  }
0x32: {  	s10 =	sld [smem:$0x3FB9];
	_ =	sdelay $0x3  }
0x33: {  	p0 =	seq.s32 s10, $0x1;
	s10 =	sld [smem:$0x3FBB];
	_ =	sdelay $0x3  }
0x34: {  	[smem:$0x3FBB] =	sst s10  }
0x35: {  	s10 =	sld [smem:$0x3FBA];
	_ =	sdelay $0x3  }
0x36: {  	p1 =	seq.s32 s10, $0x1;
	s10 =	sld [smem:$0x3FBB];
	_ =	sdelay $0x3  }
0x37: {  	[smem:$0x3FBB] =	sst s10  }
0x38: {  	s10 =	sld [smem:$0x3FBC]  }
0x39: {  	_ = 	snop;
	(pc) =	sbr.ind lr, $3  }
0x3a: {  	_ = 	snop  }
0x3b: {  	_ = 	snop  }
0x3c: {  	p2 =	seq.s32 s10, $0x1;
	s10 =	sld [smem:$0x3FBB]  }
0x3d: {  	_ =	shalt  }
0x3e: {  	_ =	shalt  }
0x3f: {  	_ =	shalt  }
0x40: {  	_ =	shalt  }
0x41: {  	_ =	shalt  }
0x42: {  	_ =	shalt  }
0x43: {  	_ =	shalt  }
0x44: {  	_ =	shalt  }
0x45: {  	_ =	shalt  }
0x46: {  	_ =	shalt  }
0x47: {  	_ =	shalt  }
0x48: {  	_ =	shalt  }
0x49: {  	_ =	shalt  }
0x4a: {  	_ =	shalt  }
0x4b: {  	_ =	shalt  }
0x4c: {  	_ =	shalt  }
0x4d: {  	_ =	shalt  }
0x4e: {  	_ =	shalt  }
0x4f: {  	_ =	shalt  }
0x50: {  	_ =	shalt  }
0x51: {  	_ =	shalt  }
0x52: {  	_ =	shalt  }
0x53: {  	_ =	shalt  }
0x54: {  	_ =	shalt  }
0x55: {  	_ =	shalt  }
0x56: {  	_ =	shalt  }
0x57: {  	_ =	shalt  }
0x58: {  	_ =	shalt  }
0x59: {  	_ =	shalt  }
0x5a: {  	_ =	shalt  }
0x5b: {  	_ =	shalt  }
0x5c: {  	_ =	shalt  }
0x5d: {  	_ =	shalt  }
0x5e: {  	_ =	shalt  }
0x5f: {  	_ =	shalt  }
0x60: {  	_ =	shalt  }
0x61: {  	_ =	shalt  }
0x62: {  	_ =	shalt  }
0x63: {  	_ =	shalt  }
0x64: {  	_ =	shalt  }
0x65: {  	_ =	shalt  }
0x66: {  	_ =	shalt  }
0x67: {  	_ =	shalt  }
0x68: {  	_ =	shalt  }
0x69: {  	_ =	shalt  }
0x6a: {  	_ =	shalt  }
0x6b: {  	_ =	shalt  }
0x6c: {  	_ =	shalt  }
0x6d: {  	_ =	shalt  }
0x6e: {  	_ =	shalt  }
0x6f: {  	_ =	shalt  }
0x70: {  	_ =	shalt  }
0x71: {  	_ =	shalt  }
0x72: {  	_ =	shalt  }
0x73: {  	_ =	shalt  }
0x74: {  	_ =	shalt  }
0x75: {  	_ =	shalt  }
0x76: {  	_ =	shalt  }
0x77: {  	_ =	shalt  }
0x78: {  	_ =	shalt  }
0x79: {  	_ =	shalt  }
0x7a: {  	_ =	shalt  }
0x7b: {  	_ =	shalt  }
0x7c: {  	_ =	shalt  }
0x7d: {  	_ =	shalt  }
0x7e: {  	_ =	shalt  }
0x7f: {  	_ =	shalt  }
0x80: {  	_ =	shalt  }
0x81: {  	_ =	shalt  }
0x82: {  	_ =	shalt  }
0x83: {  	_ =	shalt  }
0x84: {  	_ =	shalt  }
0x85: {  	_ =	shalt  }
0x86: {  	_ =	shalt  }
0x87: {  	_ =	shalt  }
.Lfunc_end0:
.L_simem_size_0:
called_computation_lowered:
.L_overlay_start_0:
0x88: {  	s2 =	sld [smem:$0x3FD9]  }
0x89: {  	s3 =	sld [smem:$0x3FFE];
	_ =	sdelay $0x1  }
0x8a: {  	s1 =	srdreg.scid  }
0x8b: {  	s0 =	sand.u32 $0x1, s1  }
0x8c: {  	s17 =	sshll.u32 s0, $0xA;
	s2 =	sadd.s32 s3, s2  }
0x8d: {  	s2 =	sadd.s32 s2, s17  }
0x8e: {  	[smem:$0x3FC7] =	sst s2  }
0x8f: {  	_ = 	snop  }
0x90: {  	s2 =	sld [smem:$0x3FC9];
	(tm) =	ssettm $0x1  }
0x91: {  	s18 =	sld [smem:$0x3FFB];
	_ =	sdelay $0x3  }
0x92: {  	_ =	strace s18  }
0x93: {  	s3 =	sld [smem:$0x3FFC];
	_ =	sdelay $0x3  }
0x94: {  	_ =	strace s3  }
0x95: {  	s3 =	sld [smem:$0x3FFD];
	_ =	sdelay $0x3  }
0x96: {  	_ =	strace s3  }
0x97: {  	_ =	strace $0x8FFFFFFF  }
0x98: {  	s19 =	sld [smem:$0x3FDB];
	_ =	sdelay $0x1  }
0x99: {  	s4 =	simm.s32 $_scs_section_size  }
0x9a: {  	s5 =	simm.s32 $_size__tile_overlayer_lowered;
	s6 =	simm.s32 $_tile_overlayer_lowered  }
0x9b: {  	s22 =	simm.s32 $0x1BFF;
	s21 =	sshll.u32 s6, $0x1;
	s3 =	sadd.s32 s4, s19  }
0x9c: {  	s7 =	simm.s32 $0x0;
	s20 =	sshll.u32 s5, $0x1;
	s5 =	sadd.s32 s21, s3  }
0x9d: {  	[timem:s7], [sflag:s22] =	dma.local [hbm:s5], s20  }
0x9e: {  	_ =	swait.ge [sflag:s22], s20  }
0x9f: {  	s4 =	ssub.s32 $0x0, s20;
	[sflag:s22] =	ssyncset.done $0x0  }
0xa0: {  	[sflag:s22] =	ssyncadd.s32 s4;
	_ =	sdelay $0x1  }
0xa1: {  	s23 =	simm.s32 $0x1B8B  }
0xa2: {  	_ =	swait.ge [sflag:s23], $0x1  }
0xa3: {  	[sflag:s23] =	ssyncset.done $0x0  }
0xa4: {  	s25 =	simm.s32 $0x1B8E;
	s24 =	sld [smem:$0x3FFE];
	[sflag:s23] =	ssyncadd.s32 $0xFFFFFFFF  }
0xa5: {  	s26 =	simm.s32 $execute0_lowered;
	[smem:$0x3FD2] =	sst s25  }
0xa6: {  	s5 =	sshll.u32 s26, $0x1;
	_ =	strace $0x80000046;
	[dreg:$0x1] =	wrdreg $0xFFFFFFFF  }
0xa7: {  	s28 =	simm.s32 $_size_execute0_lowered;
	s3 =	sadd.s32 s3, s5;
	[dreg:$0x0] =	wrdreg $0x0  }
0xa8: {  	s5 =	sshll.u32 s28, $0x1;
	[dreg:$0x2] =	wrdreg s3  }
0xa9: {  	[dreg:$0x3] =	wrdreg s5  }
0xaa: {  	[dreg:$0x4] =	wrdreg $0xC0  }
0xab: {  	_ =	task [dreg:s7], $0x5FFFF  }
0xac: {  	[dreg:$0x1] =	wrdreg $0xFFFFFFFF  }
0xad: {  	[dreg:$0x0] =	wrdreg $0x60  }
0xae: {  	[dreg:$0x2] =	wrdreg s2  }
0xaf: {  	[dreg:$0x3] =	wrdreg s24  }
0xb0: {  	[dreg:$0x4] =	wrdreg $0x9  }
0xb1: {  	_ =	task.clear_ibuf [dreg:s7], $0x5FFFF;
	_ =	strace $0x90000046  }
0xb2: {  	s29 =	simm.s32 $0x9;
	_ =	strace $0x80000048  }
0xb3: {  	_ =	swait.ge [sflag:s29], $0x1  }
0xb4: {  	[sflag:s29] =	ssyncadd.s32 $0xFFFFFFFF  }
0xb5: {  	_ =	strace $0x90000048  }
0xb6: {  	_ =	sfence  }
0xb7: {  	s30 =	sld [smem:$0x0];
	_ =	sdelay $0x2  }
0xb8: {  	s31 =	sshll.u32 s1, $0xD;
	s1 =	sshrl.u32 s1, $0x2  }
0xb9: {  	s3 =	sand.u32 $0x4000, s31;
	s1 =	sadd.s32 s1, s30  }
0xba: {  	s0 =	sor.u32 s3, s0;
	s1 =	sshll.u32 s1, $0x11  }
0xbb: {  	s0 =	sor.u32 s1, s0  }
0xbc: {  	s0 =	sadd.s32 $0x8F2B, s0  }
0xbd: {  	[sflag:s0] =	ssyncadd.remote.s32 $0x1  }
0xbe: {  	_ =	sfence.sel $0xFFFF  }
0xbf: {  	[dreg:$0x0] =	wrdreg $0xFFFFFFFF;
	(pc) =	sbr.abs _section_cstart, $3  }
0xc0: {  	[dreg:$0x1] =	wrdreg $0xFFFFFFFF  }
0xc1: {  	_ =	task.clear_ibuf [dreg:s7], $0x2FFFF;
	_ =	strace $0x9FFFFFFF  }
0xc2: {  	(tm) =	ssettm $0x7FFFFFFF  }
0xc3: {  	_ =	shalt  }
tec
execute0_lowered:
.L_overlay_start_1:
0x0: {  	(tag) =	ssettag $0x1  }
0x1: {  	s3 =	rddreg [dreg:$0x0]  }
0x2: {  	s4 =	rddreg [dreg:$0x1];
	s1 =	simm.s32 $0x0  }
0x3: {  	vm0 =	vcmask $0x700;
	v0 =	vimm.f32 $3.150000000e+02;
	[smem:$0x7FF] =	sst s1  }
0x4: {  	s0 =	rddreg [dreg:$0x2];
	v1 =	vimm.f32 $3.140000000e+02;
	vm15 =	vcmask $0x2F00;
	v0 =	vsel vm0, $0x439E0000, v0;
	_ =	strace $0x80000047  }
0x5: {  	(erf) = vrcp.f32 v0;
	v0 =	vsel vm15, $0x439D8000, v1  }
0x6: {  	(erf) = vrcp.f32 v0;
	_ =	sdelay $0x1  }
0x7: {  	s5 =	srdreg.scid  }
0x8: {  	s2 =	stileid.u32;
	s9 =	simm.s32 $0xC100;
	s10 =	simm.s32 $0x6100  }
0x9: {  	s11 =	simm.s32 $0x8100;
	s12 =	simm.s32 $0xA100;
	s5 =	sand.u32 $0x1, s5  }
0xa: {  	s6 =	sshll.u32 s2, $0xB;
	s7 =	sshll.u32 s5, $0xA;
	s5 =	ssub.s32 $0x2, s5  }
0xb: {  	s13 =	simm.s32 $0x0;
	s6 =	sor.u32 s7, s6;
	s31 =	sshrl.u32 s5, $0x1  }
0xc: {  	s7 =	sadd.s32 s6, s4;
	s3 =	sadd.s32 s6, s3;
	s8 =	ssub.s32 s5, s31  }
0xd: {  	s3 =	sadd.s32 $0x38000, s3;
	s4 =	sadd.s32 $0x1400, s7;
	s5 =	sadd.s32 $0x9400, s7;
	v0 =	vpop (erf)  }
0xe: {  	v2 =	vimm.f32 $0.0e+00;
	v3 =	vlaneseq.u32;
	s6 =	sadd.s32 $0x11400, s7;
	s7 =	smax.u32 s8, $0x1;
	s8 =	simm.s32 $0x1;
	v1 =	vpop (erf)  }
.LBB2_1:
0xf: {  	s15 =	simm.s32 $0x10  }
0x10: {  	[tilespmem:s15], [sflag:$0x1] =	stream.linear.gather [hbm4b:s3+s1], $0x2000, $0x38;
	[tilespmem:$0xC180] =	vst v63  }
0x11: {  	_ =	swait.ge [sflag:s8], $0x2000  }
0x12: {  	[sflag:s8] =	ssyncset.done $0x0  }
0x13: {  	[sflag:s8] =	ssyncadd.s32 $0xFFFFE000  }
0x14: {  	v4 =	vld [tilespmem:$0x2000]  }
0x15: {  	v5 =	vld.msk [tilespmem:$0x10 ss:$0x0], $0xffff;
	_ =	sdelay $0x3  }
0x16: {  	v4 =	vbroadcast v4, $0xF  }
0x17: {  	[tilespmem:$0x0] =	vst v5  }
0x18: {  	[tilespmem:$0x2010] =	vst v4  }
0x19: {  	[tilespmem:$0x2020] =	vst v4  }
0x1a: {  	v4 =	vld [tilespmem:s15+$0xFFFFFFF0];
	_ =	sdelay $0x4  }
0x1b: {  	(xrf2) =	vadd.scan.msk.f32 $0xffff, v4;
	_ =	sdelay $0x9  }
0x1c: {  	s16 =	simm.f32 $0.0e+00;
	v4, _, _ =	vpop (xrf2)  }
0x1d: {  	v5 =	vadd.f32 s16, v4  }
0x1e: {  	s14 =	simm.s32 $0x2090;
	(v2sf) =	vpush v4, $0xF  }
0x1f: {  	[tilespmem:s14+$0xFFFFFFF0] =	vst v5  }
0x20: {  	v5 =	vld [tilespmem:s15+$0x0];
	_ =	sdelay $0x4  }
0x21: {  	(xrf2) =	vadd.scan.msk.f32 $0xffff, v5;
	_ =	sdelay $0x7  }
0x22: {  	s31 =	spop (v2sf)  }
0x23: {  	s17 =	sadd.f32 s31, s16  }
0x24: {  	v4, _, _ =	vpop (xrf2)  }
0x25: {  	(v2sf) =	vpush v4, $0xF;
	v4 =	vadd.f32 s17, v4;
	_ =	sdelay $0x1  }
0x26: {  	s15 =	simm.s32 $0x30;
	[tilespmem:s14+$0x0] =	vst v4  }
0x27: {  	v4 =	vld [tilespmem:s15+$0xFFFFFFF0];
	_ =	sdelay $0x4  }
0x28: {  	(xrf2) =	vadd.scan.msk.f32 $0xffff, v4;
	_ =	sdelay $0x6  }
0x29: {  	s16 =	simm.s32 $0x2;
	s18 =	spop (v2sf)  }
.LBB2_2:
0x2a: {  	s16 =	sadd.s32 $0x2, s16;
	s17 =	sadd.f32 s18, s17;
	s14 =	sadd.s32 $0x20, s14  }
0x2b: {  	p0 =	slt.u32 s16, $0x200  }
0x2c: {  	v4, _, _ =	vpop (xrf2)  }
0x2d: {  	v5 =	vadd.f32 s17, v4;
	(v2sf) =	vpush v4, $0xF;
	_ =	sdelay $0x1  }
0x2e: {  	[tilespmem:s14+$0xFFFFFFF0] =	vst v5  }
0x2f: {  	v4 =	vld [tilespmem:s15+$0x0];
	_ =	sdelay $0x4  }
0x30: {  	(xrf2) =	vadd.scan.msk.f32 $0xffff, v4;
	_ =	sdelay $0x6  }
0x31: {  	s18 =	spop (v2sf);
	_ =	sdelay $0x1  }
0x32: {  	s17 =	sadd.f32 s18, s17  }
0x33: {  	v4, _, _ =	vpop (xrf2)  }
0x34: {  	v5 =	vadd.f32 s17, v4;
	(v2sf) =	vpush v4, $0xF;
	_ =	sdelay $0x1  }
0x35: {  	s15 =	sadd.s32 $0x20, s15;
	[tilespmem:s14+$0x0] =	vst v5  }
0x36: {  	v4 =	vld [tilespmem:s15+$0xFFFFFFF0];
	_ =	sdelay $0x4  }
0x37: {  	(xrf2) =	vadd.scan.msk.f32 $0xffff, v4;
	_ =	sdelay $0x2  }
.Ltmp0:
0x38: {  	(pc) =	sbr.rel @p0 .LBB2_2-.Ltmp0, $2  }
0x39: {  	_ =	sdelay $0x2  }
0x3a: {  	s18 =	spop (v2sf)  }
0x3b: {  	_ = 	snop  }
0x3c: {  	s16 =	sadd.f32 s18, s17  }
0x3d: {  	v4, _, _ =	vpop (xrf2)  }
0x3e: {  	v5 =	vadd.f32 s16, v4  }
0x3f: {  	s14 =	sadd.s32 $0x20, s14;
	(v2sf) =	vpush v4, $0xF  }
0x40: {  	[tilespmem:s14+$0xFFFFFFF0] =	vst v5  }
0x41: {  	v4 =	vld [tilespmem:s15+$0x0];
	_ =	sdelay $0x4  }
0x42: {  	(xrf2) =	vadd.scan.msk.f32 $0xffff, v4;
	_ =	sdelay $0x7  }
0x43: {  	s29 =	spop (v2sf)  }
0x44: {  	s15 =	sadd.f32 s29, s16  }
0x45: {  	v4, _, _ =	vpop (xrf2)  }
0x46: {  	v5 =	vadd.f32 s15, v4  }
0x47: {  	(v2sf) =	vpush v4, $0xF  }
0x48: {  	[tilespmem:s14+$0x0] =	vst v5  }
0x49: {  	v4 =	vld [tilespmem:$0x2020];
	_ =	sdelay $0x4  }
0x4a: {  	(xrf2) =	vadd.scan.msk.f32 $0xffff, v4;
	_ =	sdelay $0x7  }
0x4b: {  	s30 =	spop (v2sf)  }
0x4c: {  	s14 =	sadd.f32 s30, s15  }
0x4d: {  	v4, _, _ =	vpop (xrf2)  }
0x4e: {  	[tilespmem:$0xC100] =	vst v2;
	v4 =	vadd.f32 s14, v4  }
0x4f: {  	[tilespmem:$0xC110] =	vst v2  }
0x50: {  	s14 =	simm.s32 $0x209C;
	[tilespmem:$0x40A0] =	vst v4  }
0x51: {  	v4 =	vld [tilespmem:s14+$0xFFFFFFE6]  }
0x52: {  	v5 =	vld [tilespmem:s14+$0x1]  }
0x53: {  	s15 =	simm.s32 $0x0;
	v6 =	vld [tilespmem:s14+$0xFFFFFFE7]  }
0x54: {  	v8 =	vor.u32 s15, v3;
	v7 =	vld [tilespmem:s14+$0x0]  }
0x55: {  	v9 =	vcvt.s32.f32 v8;
	_ =	sdelay $0x1  }
0x56: {  	v10 =	vadd.f32 $5.000000000e-01, v9;
	_ =	sdelay $0x1  }
0x57: {  	v5 =	vsub.f32 v5, v6;
	v4 =	vsub.f32 v7, v4;
	v6 =	vmul.f32 $1.000122070e+00, v10;
	_ =	sdelay $0x1  }
0x58: {  	v4 =	vmul.f32 $3.846153990e-02, v4;
	v5 =	vmul.f32 $3.846153990e-02, v5;
	v6 =	vadd.f32 $-5.000000000e-01, v6  }
0x59: {  	v7 =	vmulhi.u32 $0x4EC4EC4F, v8  }
0x5a: {  	s19 =	simm.s32 $0x20;
	v6 =	vsub.f32 v6, v9;
	v5 =	vsub.f32 v5, v4  }
0x5b: {  	v61 =	vld [tilespmem:s19+$0xFFFFFFF0];
	v7 =	vshrl.u32 v7, $0x3  }
0x5c: {  	v5 =	vmul.f32 v5, v6;
	v6 =	vmul.u32 $0x1A, v7;
	_ =	sdelay $0x1  }
0x5d: {  	v4 =	vadd.f32 v5, v4;
	v5 =	vsub.s32 v8, v6;
	_ =	sdelay $0x1  }
0x5e: {  	s17 =	simm.s32 $0x6110;
	v6 =	vsub.f32 v61, v4  }
0x5f: {  	s16 =	simm.s32 $0x4110;
	[tilespmem:s17+$0xFFFFFFF0] =	vst v4  }
0x60: {  	[tilespmem:s16+$0xFFFFFFF0] =	vst v6  }
0x61: {  	[tilespmem:v5+s9+$0x0] =	vst.idx.add.f32.msk $0xffff, v6  }
0x62: {  	v4 =	vld [tilespmem:s14+$0xFFFFFFF7]  }
0x63: {  	v5 =	vld [tilespmem:s14+$0x10]  }
0x64: {  	s31 =	simm.s32 $0x10;
	v8 =	vld [tilespmem:s14+$0xFFFFFFF6]  }
0x65: {  	v7 =	vor.u32 s31, v3;
	v6 =	vld [tilespmem:s14+$0x11]  }
0x66: {  	v62 =	vcvt.s32.f32 v7;
	_ =	sdelay $0x1  }
0x67: {  	v63 =	vadd.f32 $5.000000000e-01, v62  }
0x68: {  	v5 =	vsub.f32 v5, v8  }
0x69: {  	v4 =	vsub.f32 v6, v4;
	v6 =	vmul.f32 $1.000122070e+00, v63  }
0x6a: {  	v8 =	vmul.f32 $3.846153990e-02, v5;
	v5 =	vmulhi.u32 $0x4EC4EC4F, v7  }
0x6b: {  	v4 =	vmul.f32 $3.846153990e-02, v4;
	v6 =	vadd.f32 $-5.000000000e-01, v6  }
0x6c: {  	v5 =	vshrl.u32 v5, $0x3  }
0x6d: {  	v6 =	vsub.f32 v6, v62;
	v4 =	vsub.f32 v4, v8;
	v5 =	vmul.u32 $0x1A, v5;
	_ =	sdelay $0x1  }
0x6e: {  	v6 =	vmul.f32 v4, v6;
	v4 =	vsub.s32 v7, v5;
	v5 =	vld [tilespmem:s19+$0x0];
	_ =	sdelay $0x2  }
0x6f: {  	s18 =	simm.s32 $0x0;
	v6 =	vadd.f32 v6, v8  }
0x70: {  	s20 =	simm.s32 $0x4130;
	s21 =	simm.s32 $0x40;
	s19 =	simm.s32 $0x6130  }
.LBB2_4:
0x71: {  	s18 =	sadd.s32 $0x2, s18;
	v5 =	vsub.f32 v5, v6;
	[tilespmem:s17+$0x0] =	vst v6;
	s15 =	sadd.s32 $0x20, s15;
	s14 =	sadd.s32 $0x20, s14  }
0x72: {  	s17 =	smov.u32 s19;
	p0 =	slt.u32 s18, $0x1FE  }
0x73: {  	[tilespmem:s16+$0x0] =	vst v5;
	s16 =	smov.u32 s20  }
0x74: {  	[tilespmem:v4+s9+$0x0] =	vst.idx.add.f32.msk $0xffff, v5  }
0x75: {  	v4 =	vld [tilespmem:s14+$0xFFFFFFE6]  }
0x76: {  	v5 =	vld [tilespmem:s14+$0x1]  }
0x77: {  	v6 =	vld [tilespmem:s14+$0xFFFFFFE7]  }
0x78: {  	v8 =	vor.u32 s15, v3;
	v7 =	vld [tilespmem:s14+$0x0]  }
0x79: {  	v9 =	vcvt.s32.f32 v8;
	v10 =	vmulhi.u32 $0x4EC4EC4F, v8;
	_ =	sdelay $0x1  }
0x7a: {  	v11 =	vadd.f32 $5.000000000e-01, v9;
	v10 =	vshrl.u32 v10, $0x3  }
0x7b: {  	v5 =	vsub.f32 v5, v6  }
0x7c: {  	v6 =	vmul.f32 $1.000122070e+00, v11;
	v4 =	vsub.f32 v7, v4;
	_ =	sdelay $0x1  }
0x7d: {  	v5 =	vmul.f32 $3.846153990e-02, v5;
	v6 =	vadd.f32 $-5.000000000e-01, v6;
	v4 =	vmul.f32 $3.846153990e-02, v4;
	_ =	sdelay $0x1  }
0x7e: {  	v6 =	vsub.f32 v6, v9;
	v5 =	vsub.f32 v5, v4  }
0x7f: {  	v7 =	vld [tilespmem:s21+$0xFFFFFFF0]  }
0x80: {  	v5 =	vmul.f32 v5, v6;
	v6 =	vmul.u32 $0x1A, v10;
	_ =	sdelay $0x1  }
0x81: {  	v4 =	vadd.f32 v5, v4;
	v5 =	vsub.s32 v8, v6;
	_ =	sdelay $0x1  }
0x82: {  	v6 =	vsub.f32 v7, v4  }
0x83: {  	[tilespmem:s19+$0xFFFFFFF0] =	vst v4  }
0x84: {  	[tilespmem:s20+$0xFFFFFFF0] =	vst v6  }
0x85: {  	[tilespmem:v5+s9+$0x0] =	vst.idx.add.f32.msk $0xffff, v6  }
0x86: {  	v4 =	vld [tilespmem:s14+$0xFFFFFFF7]  }
0x87: {  	s22 =	sadd.s32 $0x10, s15;
	v5 =	vld [tilespmem:s14+$0x10]  }
0x88: {  	v7 =	vor.u32 s22, v3;
	v6 =	vld [tilespmem:s14+$0x11]  }
0x89: {  	v9 =	vcvt.s32.f32 v7;
	v10 =	vmulhi.u32 $0x4EC4EC4F, v7;
	v8 =	vld [tilespmem:s14+$0xFFFFFFF6];
	_ =	sdelay $0x1  }
0x8a: {  	v11 =	vadd.f32 $5.000000000e-01, v9;
	v10 =	vshrl.u32 v10, $0x3  }
0x8b: {  	v10 =	vmul.u32 $0x1A, v10  }
0x8c: {  	v11 =	vmul.f32 $1.000122070e+00, v11;
	v6 =	vsub.f32 v6, v4  }
0x8d: {  	v4 =	vsub.s32 v7, v10;
	v5 =	vsub.f32 v5, v8  }
0x8e: {  	v7 =	vadd.f32 $-5.000000000e-01, v11;
	v6 =	vmul.f32 $3.846153990e-02, v6  }
0x8f: {  	v8 =	vmul.f32 $3.846153990e-02, v5  }
0x90: {  	v7 =	vsub.f32 v7, v9  }
0x91: {  	v6 =	vsub.f32 v6, v8;
	v5 =	vld [tilespmem:s21+$0x0]  }
.Ltmp1:
0x92: {  	(pc) =	sbr.rel @p0 .LBB2_4-.Ltmp1, $3  }
0x93: {  	v6 =	vmul.f32 v6, v7;
	_ =	sdelay $0x1  }
0x94: {  	v6 =	vadd.f32 v6, v8  }
0x95: {  	s19 =	sadd.s32 $0x20, s19;
	s20 =	sadd.s32 $0x20, s20;
	s21 =	sadd.s32 $0x20, s21  }
0x96: {  	_ = 	snop  }
0x97: {  	v5 =	vsub.f32 v5, v6  }
0x98: {  	[tilespmem:s17+$0x0] =	vst v6;
	s14 =	simm.s32 $0x0  }
0x99: {  	v6 =	vor.u32 s14, v3;
	[tilespmem:s16+$0x0] =	vst v5  }
0x9a: {  	[tilespmem:v4+s9+$0x0] =	vst.idx.add.f32.msk $0xffff, v5;
	v4 =	vmulhi.u32 $0x4EC4EC4F, v6  }
0x9b: {  	v5 =	vld [tilespmem:$0xC100]  }
0x9c: {  	v7 =	vld [tilespmem:$0xC110];
	v4 =	vshrl.u32 v4, $0x3  }
0x9d: {  	v4 =	vmul.u32 $0x1A, v4;
	_ =	sdelay $0x1  }
0x9e: {  	v4 =	vsub.s32 v6, v4  }
0x9f: {  	v5 =	vmul.f32 v5, v0  }
0xa0: {  	v6 =	vmul.f32 v7, v1  }
0xa1: {  	[tilespmem:$0xC100] =	vst v5  }
0xa2: {  	[tilespmem:$0xC110] =	vst v6  }
0xa3: {  	v4 =	vld.idx.msk [tilespmem:v4+s9+$0x0], $0xffff;
	_ =	sdelay $0x1  }
0xa4: {  	s31 =	simm.s32 $0x10  }
0xa5: {  	v5 =	vor.u32 s31, v3  }
0xa6: {  	s14 =	simm.s32 $0x8110;
	v6 =	vmulhi.u32 $0x4EC4EC4F, v5  }
0xa7: {  	s15 =	simm.s32 $0x4110;
	[tilespmem:s14+$0xFFFFFFF0] =	vst v4  }
0xa8: {  	v6 =	vshrl.u32 v6, $0x3;
	v7 =	vld [tilespmem:s15+$0xFFFFFFF0]  }
0xa9: {  	v6 =	vmul.u32 $0x1A, v6;
	_ =	sdelay $0x1  }
0xaa: {  	v5 =	vsub.s32 v5, v6;
	_ =	sdelay $0x1  }
0xab: {  	v4 =	vsub.f32 v7, v4  }
0xac: {  	s16 =	simm.s32 $0xA110  }
0xad: {  	[tilespmem:s16+$0xFFFFFFF0] =	vst v4  }
0xae: {  	v4 =	vld.idx.msk [tilespmem:v5+s9+$0x0], $0xffff  }
0xaf: {  	s17 =	simm.s32 $0x0;
	s18 =	simm.s32 $0x30  }
.LBB2_6:
0xb0: {  	s19 =	sadd.s32 $0xFFFFFFF0, s18;
	s17 =	sadd.s32 $0x2, s17  }
0xb1: {  	v5 =	vor.u32 s19, v3;
	p0 =	slt.u32 s17, $0x1FE  }
0xb2: {  	v6 =	vmulhi.u32 $0x4EC4EC4F, v5  }
0xb3: {  	[tilespmem:s14+$0x0] =	vst v4  }
0xb4: {  	v6 =	vshrl.u32 v6, $0x3;
	v7 =	vld [tilespmem:s15+$0x0]  }
0xb5: {  	v6 =	vmul.u32 $0x1A, v6;
	_ =	sdelay $0x1  }
0xb6: {  	v5 =	vsub.s32 v5, v6;
	_ =	sdelay $0x1  }
0xb7: {  	v4 =	vsub.f32 v7, v4;
	_ =	sdelay $0x1  }
0xb8: {  	[tilespmem:s16+$0x0] =	vst v4  }
0xb9: {  	v4 =	vld.idx.msk [tilespmem:v5+s9+$0x0], $0xffff;
	_ =	sdelay $0x3  }
0xba: {  	v5 =	vor.u32 s18, v3  }
0xbb: {  	s14 =	sadd.s32 $0x20, s14;
	v6 =	vmulhi.u32 $0x4EC4EC4F, v5  }
0xbc: {  	s15 =	sadd.s32 $0x20, s15;
	[tilespmem:s14+$0xFFFFFFF0] =	vst v4  }
0xbd: {  	v6 =	vshrl.u32 v6, $0x3;
	v7 =	vld [tilespmem:s15+$0xFFFFFFF0]  }
0xbe: {  	v6 =	vmul.u32 $0x1A, v6;
	_ =	sdelay $0x1  }
0xbf: {  	v5 =	vsub.s32 v5, v6;
	_ =	sdelay $0x1  }
0xc0: {  	v4 =	vsub.f32 v7, v4  }
.Ltmp2:
0xc1: {  	s16 =	sadd.s32 $0x20, s16;
	(pc) =	sbr.rel @p0 .LBB2_6-.Ltmp2, $3  }
0xc2: {  	[tilespmem:s16+$0xFFFFFFF0] =	vst v4  }
0xc3: {  	v4 =	vld.idx.msk [tilespmem:v5+s9+$0x0], $0xffff;
	_ =	sdelay $0x1  }
0xc4: {  	s18 =	sadd.s32 $0x20, s18  }
0xc5: {  	_ =	sdelay $0x1  }
0xc6: {  	[tilespmem:s14+$0x0] =	vst v4  }
0xc7: {  	v5 =	vld [tilespmem:s15+$0x0];
	_ =	sdelay $0x4  }
0xc8: {  	v4 =	vsub.f32 v5, v4;
	_ =	sdelay $0x1  }
0xc9: {  	[tilespmem:s16+$0x0] =	vst v4  }
0xca: {  	[hbm4b:s4+s1] =	stream.linear.scatter [tilespmem:s10], [sflag:$0x1], $0x2000, $0x38;
	[tilespmem:$0xC180] =	vst v63  }
0xcb: {  	_ =	swait.ge [sflag:s8], $0x2000  }
0xcc: {  	[sflag:s8] =	ssyncset.done $0x0  }
0xcd: {  	[sflag:s8] =	ssyncadd.s32 $0xFFFFE000  }
0xce: {  	[hbm4b:s5+s1] =	stream.linear.scatter [tilespmem:s11], [sflag:$0x1], $0x2000, $0x38;
	[tilespmem:$0xC180] =	vst v63  }
0xcf: {  	s13 =	sadd.s32 $0x1, s13;
	_ =	swait.ge [sflag:s8], $0x2000  }
0xd0: {  	p0 =	sne.s32 s13, s7;
	[sflag:s8] =	ssyncset.done $0x0  }
.Ltmp3:
0xd1: {  	[sflag:s8] =	ssyncadd.s32 $0xFFFFE000;
	(pc) =	sbr.rel @p0 .LBB2_1-.Ltmp3, $4  }
0xd2: {  	[hbm4b:s6+s1] =	stream.linear.scatter [tilespmem:s12], [sflag:$0x1], $0x2000, $0x38;
	[tilespmem:$0xC180] =	vst v63  }
0xd3: {  	_ =	swait.ge [sflag:s8], $0x2000  }
0xd4: {  	[sflag:s8] =	ssyncset.done $0x0  }
0xd5: {  	[sflag:s8] =	ssyncadd.s32 $0xFFFFE000  }
0xd6: {  	_ =	sfence.sel $0x180000  }
0xd7: {  	[bflag:$0x0] =	sbarrier.arrive $0xFFFF  }
0xd8: {  	p0 =	sne.s32 s2, $0x0;
	_ =	strace $0x90000047  }
0xd9: {  	s0 =	sadd.s32 @!p0 $0x100000, s0;
	[bflag:$0x2] =	sbarrier.arrive $0xFFFF  }
0xda: {  	[sflag:s0] =	ssyncadd.tile.s32 @!p0 $0x1;
	_ =	shalt  }
.Lfunc_end2:
_tile_overlayer_lowered:
.L_overlay_start_2:
0xdb: {  	(tag) =	ssettag $0x2  }
0xdc: {  	s0 =	rddreg [dreg:$0x0];
	s2 =	stileid.u32  }
0xdd: {  	s1 =	rddreg [dreg:$0x1];
	p0 =	sne.s32 s2, $0x0  }
0xde: {  	s3 =	rddreg [dreg:$0x2];
	[bflag:$0x3] =	sbarrier.arrive $0xFFFF;
	s2 =	simm.s32 @!p0 $0x1C01  }
0xdf: {  	[timem:s3], [sflag:s2] =	dma.local @!p0 [hbm:s0], s1  }
0xe0: {  	s0 =	simm.s32 @!p0 $0x1  }
0xe1: {  	_ =	swait.ge @!p0 [sflag:s0], s1  }
0xe2: {  	s1 =	ssub.s32 @!p0 $0x0, s1;
	[sflag:s0] =	ssyncset.done @!p0 $0x0  }
0xe3: {  	[sflag:s0] =	ssyncadd.s32 @!p0 s1  }
0xe4: {  	[bflag:$0x3] =	sbarrier.arrive $0xFFFF  }
0xe5: {  	_ =	shalt  }

</sc_bundles>
